<compile_context>
chip_gen: v7x
topology: tpu7x:2x2x1
jax: 0.10.2.dev20260603
libtpu: 0.0.44.dev20260713+nightly
codegen_flags: <defaults>
</compile_context>

<pallas_src>
import functools
import jax
import jax.numpy as jnp
from jax import lax
from jax.experimental import pallas as pl
from jax.experimental.pallas import tpu as pltpu
from jax.experimental.pallas import tpu_sc as plsc

_E = 16
_D_MODEL = 768
_D_FF = 2048
_T = 160


def _sc_info():
    info = plsc.get_sparse_core_info()
    return info.num_cores, info.num_subcores


def _sc_row_gather(table, idx, n_rows, d):
    nc, ns = _sc_info()
    nw = nc * ns
    b_per_w = n_rows // nw
    chunk = 64
    n_chunks = b_per_w // chunk
    assert chunk * n_chunks == b_per_w
    nbuf = min(2, n_chunks)
    mesh = plsc.VectorSubcoreMesh(core_axis_name="c", subcore_axis_name="s")

    @functools.partial(
        pl.kernel,
        mesh=mesh,
        out_type=jax.ShapeDtypeStruct((n_rows, d), jnp.float32),
        scratch_types=[pltpu.VMEM((chunk,), jnp.int32) for _ in range(n_chunks)]
        + [pltpu.VMEM((chunk, d), jnp.float32) for _ in range(nbuf)]
        + [pltpu.SemaphoreType.DMA for _ in range(nbuf)],
    )
    def k(table_hbm, idx_hbm, out_hbm, *rest):
        idx_bufs = rest[:n_chunks]
        rows_bufs = rest[n_chunks:n_chunks + nbuf]
        sems = rest[n_chunks + nbuf:]
        wid = lax.axis_index("s") * nc + lax.axis_index("c")
        base = wid * b_per_w
        for c in range(n_chunks):
            pltpu.sync_copy(idx_hbm.at[pl.ds(base + c * chunk, chunk)],
                            idx_bufs[c])
        copies = [None] * n_chunks
        for c in range(min(nbuf, n_chunks)):
            copies[c] = pltpu.async_copy(table_hbm.at[idx_bufs[c]],
                                         rows_bufs[c % nbuf], sems[c % nbuf])
        for c in range(n_chunks):
            copies[c].wait()
            pltpu.sync_copy(rows_bufs[c % nbuf],
                            out_hbm.at[pl.ds(base + c * chunk, chunk)])
            nxt = c + nbuf
            if nxt < n_chunks:
                copies[nxt] = pltpu.async_copy(table_hbm.at[idx_bufs[nxt]],
                                               rows_bufs[nxt % nbuf],
                                               sems[nxt % nbuf])

    return k(table, idx)


def _sc_row_scatter(rows, idx, n_out_rows, d):
    nc, ns = _sc_info()
    nw = nc * ns
    n_in = rows.shape[0]
    b_per_w = n_in // nw
    chunk = 64
    n_chunks = b_per_w // chunk
    assert chunk * n_chunks == b_per_w
    mesh = plsc.VectorSubcoreMesh(core_axis_name="c", subcore_axis_name="s")

    @functools.partial(
        pl.kernel,
        mesh=mesh,
        out_type=jax.ShapeDtypeStruct((n_out_rows, d), jnp.float32),
        scratch_types=[pltpu.VMEM((chunk,), jnp.int32) for _ in range(n_chunks)]
        + [pltpu.VMEM((chunk, d), jnp.float32) for _ in range(n_chunks)]
        + [pltpu.SemaphoreType.DMA],
    )
    def k(rows_hbm, idx_hbm, out_hbm, *rest):
        idx_bufs = rest[:n_chunks]
        rows_bufs = rest[n_chunks:2 * n_chunks]
        sem = rest[2 * n_chunks]
        wid = lax.axis_index("s") * nc + lax.axis_index("c")
        base = wid * b_per_w
        for c in range(n_chunks):
            pltpu.sync_copy(idx_hbm.at[pl.ds(base + c * chunk, chunk)],
                            idx_bufs[c])
            pltpu.sync_copy(rows_hbm.at[pl.ds(base + c * chunk, chunk)],
                            rows_bufs[c])
        copies = [pltpu.async_copy(rows_bufs[c], out_hbm.at[idx_bufs[c]], sem)
                  for c in range(n_chunks)]
        for cp in copies:
            cp.wait()

    return k(rows, idx)


def _route_body(x_ref, wg_ref, pos_ref, meta_ref):
    n = x_ref.shape[0]
    g_max = meta_ref.shape[0] - 8
    logits = jnp.dot(x_ref[...], wg_ref[...], preferred_element_type=jnp.float32)
    m = jnp.max(logits, axis=-1, keepdims=True)
    s = jnp.exp(logits - m)
    prob = s / jnp.sum(s, axis=-1, keepdims=True)
    eid = jnp.argmax(prob, axis=-1).astype(jnp.int32)

    oh = (eid[:, None] == lax.broadcasted_iota(jnp.int32, (1, _E), 1)
          ).astype(jnp.int32)
    cum = oh
    sh = 1
    while sh < n:
        cum = cum + jnp.concatenate(
            [jnp.zeros((sh, _E), jnp.int32), cum[:-sh]], axis=0)
        sh *= 2
    counts_i = cum[-1:]
    counts = counts_i.astype(jnp.float32)

    col = lax.broadcasted_iota(jnp.int32, (_E, _E), 1)
    row = lax.broadcasted_iota(jnp.int32, (_E, _E), 0)
    tri_incl = (row <= col).astype(jnp.float32)

    tiles_e = ((counts_i + (_T - 1)) // _T).astype(jnp.float32)
    cum_tiles = jnp.dot(tiles_e, tri_incl,
                        preferred_element_type=jnp.float32).astype(jnp.int32)
    tile_off = cum_tiles - tiles_e.astype(jnp.int32)
    ntiles = cum_tiles[0, _E - 1]

    rank = jnp.sum(cum * oh, axis=1) - 1
    toff_tok = jnp.sum(tile_off * oh, axis=1)
    pos_ref[...] = (toff_tok + rank // _T) * _T + rank % _T

    gi = lax.broadcasted_iota(jnp.int32, (g_max, _E), 0)
    tile_eid = jnp.minimum(
        jnp.sum((gi >= cum_tiles).astype(jnp.int32), axis=1), _E - 1)
    meta_ref[...] = jnp.concatenate(
        [tile_eid, jnp.full((8,), ntiles, jnp.int32)], axis=0)


def _route(flat, Wg, g_max):
    n = flat.shape[0]
    return pl.pallas_call(
        _route_body,
        out_shape=[jax.ShapeDtypeStruct((n,), jnp.int32),
                   jax.ShapeDtypeStruct((g_max + 8,), jnp.int32)],
    )(flat, Wg)


def _moe_body(eids_ref, meta_ref, x_ref, w1_ref, b1_ref, w2_ref, b2_ref, o_ref):
    g = pl.program_id(0)

    @pl.when(g < meta_ref[0])
    def _():
        h = jnp.dot(x_ref[...], w1_ref[0], preferred_element_type=jnp.float32)
        h = jnp.maximum(h + b1_ref[0], 0.0)
        o_ref[...] = (jnp.dot(h, w2_ref[0], preferred_element_type=jnp.float32)
                      + b2_ref[0])


def _grouped_mlp(x_pad, tile_eid, ntiles, W1, b1, W2, b2, g_max):
    grid_spec = pltpu.PrefetchScalarGridSpec(
        num_scalar_prefetch=2,
        grid=(g_max,),
        in_specs=[
            pl.BlockSpec((_T, _D_MODEL),
                         lambda g, e, m: (jnp.minimum(g, m[0] - 1), 0)),
            pl.BlockSpec((1, _D_MODEL, _D_FF), lambda g, e, m: (e[g], 0, 0)),
            pl.BlockSpec((1, 1, _D_FF), lambda g, e, m: (e[g], 0, 0)),
            pl.BlockSpec((1, _D_FF, _D_MODEL), lambda g, e, m: (e[g], 0, 0)),
            pl.BlockSpec((1, 1, _D_MODEL), lambda g, e, m: (e[g], 0, 0)),
        ],
        out_specs=pl.BlockSpec((_T, _D_MODEL),
                               lambda g, e, m: (jnp.minimum(g, m[0] - 1), 0)),
    )
    return pl.pallas_call(
        _moe_body,
        grid_spec=grid_spec,
        out_shape=jax.ShapeDtypeStruct((g_max * _T, _D_MODEL), jnp.float32),
        compiler_params=pltpu.CompilerParams(
            dimension_semantics=("arbitrary",),
        ),
    )(tile_eid, ntiles, x_pad, W1, b1.reshape(_E, 1, _D_FF), W2,
      b2.reshape(_E, 1, _D_MODEL))


def kernel(inputs, Wg, W1, b1, W2, b2):
    flat = inputs.reshape((-1, inputs.shape[-1]))
    n = flat.shape[0]
    g_max = -(-n // _T) + _E - 1

    pos, meta = _route(flat, Wg, g_max)
    tile_eid = meta[:g_max]
    ntiles = meta[g_max:g_max + 1]

    x_pad = _sc_row_scatter(flat, pos, g_max * _T, _D_MODEL)
    y_pad = _grouped_mlp(x_pad, tile_eid, ntiles, W1, b1, W2, b2, g_max)
    out = _sc_row_gather(y_pad, pos, n, _D_MODEL)
    return out.reshape(inputs.shape[:-1] + (_D_MODEL,))

# --- scband reference (transcript-rebuilt; emitter-appended) ---
"""Pipeline reference for scband-top-kmoe-layer-4999341932688 (READ-ONLY COPY).

The authoritative reference and input builder live on the scoring server;
editing this copy changes nothing except your own understanding.
"""

import jax, jax.numpy as jnp
import numpy as np

E = 16
TOP_K = 1
D_MODEL = 768
D_FF = 2048
BATCH = 1
SEQ = 2048


def setup_inputs(seed: int = 0) -> dict:
    key = jax.random.key(seed)
    ks = jax.random.split(key, 6)
    inputs = jax.random.normal(ks[0], (BATCH, SEQ, D_MODEL), dtype=jnp.float32)
    Wg = jax.random.normal(ks[1], (D_MODEL, E), dtype=jnp.float32) * 0.02
    W1 = jax.random.normal(ks[2], (E, D_MODEL, D_FF), dtype=jnp.float32) * 0.02
    b1 = jnp.zeros((E, D_FF), dtype=jnp.float32)
    W2 = jax.random.normal(ks[3], (E, D_FF, D_MODEL), dtype=jnp.float32) * 0.02
    b2 = jnp.zeros((E, D_MODEL), dtype=jnp.float32)
    return {"inputs": inputs, "Wg": Wg, "W1": W1, "b1": b1, "W2": W2, "b2": b2}


def reference(inputs, Wg, W1, b1, W2, b2):
    # flatten tokens
    flat = inputs.reshape((-1, inputs.shape[-1]))
    # gate: linear (no bias) then softmax, as in F.softmax(self.gate(x))
    gate_logits = jax.nn.softmax(flat @ Wg, axis=-1)
    # top-k routing
    weights, selected_experts = jax.lax.top_k(gate_logits, TOP_K)
    weights = weights / jnp.sum(weights, axis=-1, keepdims=True)
    # results accumulator: zeros_like(experts[0](flat)) -> [num_tokens, D_MODEL]
    results = jnp.zeros((flat.shape[0], D_MODEL), dtype=flat.dtype)
    for i in range(E):
        sel = selected_experts == i
        token_mask = jnp.any(sel, axis=-1)
        # expert MLP: Linear -> ReLU -> Linear
        h = jax.nn.relu(flat @ W1[i] + b1[i])
        out = h @ W2[i] + b2[i]
        w = jnp.sum(jnp.where(sel, weights, 0.0), axis=-1)[:, None]
        results = results + jnp.where(token_mask[:, None], w * out, 0.0)
    results = results.reshape(inputs.shape[:-1] + (D_MODEL,))
    return results

if __name__ == "__main__":
    import jax
    _d = setup_inputs()
    print(jax.jit(kernel)(*tuple(_d.values())))

</pallas_src>

<mosaic_0001>
#map = affine_map<(d0, d1) -> (0, 0)>
#map1 = affine_map<(d0, d1) -> (0)>
module attributes {stable_mosaic.version = 14 : i64} {
  func.func @k(%arg0: i32, %arg1: i32, %arg2: memref<4480x768xf32, #tpu.memory_space<hbm>>, %arg3: memref<2048xi32, #tpu.memory_space<hbm>>, %arg4: memref<2048x768xf32, #tpu.memory_space<hbm>>, %arg5: memref<64xi32, #tpu.memory_space<vmem>>, %arg6: memref<64x768xf32, #tpu.memory_space<vmem>>, %arg7: memref<!tpu.dma_semaphore, #tpu.memory_space<semaphore_mem>>) attributes {dimension_semantics = [#tpu.dimension_semantics<core_parallel>, #tpu.dimension_semantics<subcore_parallel>], iteration_bounds = array<i64: 2, 16>, scalar_prefetch = 0 : i64, scratch_operands = 3 : i64, tpu.core_type = #tpu.core_type<sc_vector_subcore>, window_params = [{transform_indices = #map}, {transform_indices = #map1}, {transform_indices = #map}]} {
    %mul3A = arith.constant 2 : i32
    %mul3A_0 = arith.muli %arg1, %mul3A : i32
    %add3A = arith.addi %mul3A_0, %arg0 : i32
    %mul3A_1 = arith.constant 64 : i32
    %mul3A_2 = arith.muli %add3A, %mul3A_1 : i32
    %add3A_3 = arith.constant 0 : i32
    %add3A_4 = arith.addi %mul3A_2, %add3A_3 : i32
    "tpu.region"() ({
      %run_scoped3A = tpu.sem_alloc : memref<!tpu.dma_semaphore, #tpu.memory_space<semaphore_mem>>
      %dma_start3A_11 = tpu.memref_slice %arg3[%add3A_4] : memref<2048xi32, #tpu.memory_space<hbm>> -> memref<64xi32, #tpu.memory_space<hbm>>
      %dma_start3A_12 = tpu.memref_slice %arg3[%add3A_4] : memref<2048xi32, #tpu.memory_space<hbm>> -> memref<64xi32, #tpu.memory_space<hbm>>
      tpu.enqueue_dma source(%dma_start3A_12 : memref<64xi32, #tpu.memory_space<hbm>>) target(%arg5 : memref<64xi32, #tpu.memory_space<vmem>>) target_semaphore(%run_scoped3A : memref<!tpu.dma_semaphore, #tpu.memory_space<semaphore_mem>>)
      %dma_wait3A_13 = tpu.memref_slice %arg3[%add3A_4] : memref<2048xi32, #tpu.memory_space<hbm>> -> memref<64xi32, #tpu.memory_space<hbm>>
      %dma_wait3A_14 = tpu.memref_slice %arg3[%add3A_4] : memref<2048xi32, #tpu.memory_space<hbm>> -> memref<64xi32, #tpu.memory_space<hbm>>
      tpu.wait_dma2 semaphore(%run_scoped3A : memref<!tpu.dma_semaphore, #tpu.memory_space<semaphore_mem>>) src(%dma_wait3A_14 : memref<64xi32, #tpu.memory_space<hbm>>) dst(%arg5 : memref<64xi32, #tpu.memory_space<vmem>>)
      tpu.yield
    }) : () -> ()
    %dma_start3A = arith.constant 0 : i32
    %dma_start3A_5 = arith.constant 0 : i32
    %dma_start3A_6 = tpu.memref_slice %arg2[%dma_start3A, %dma_start3A_5] : memref<4480x768xf32, #tpu.memory_space<hbm>> -> memref<4480x768xf32, #tpu.memory_space<hbm>>
    tpu.enqueue_indirect_dma source(%dma_start3A_6 : memref<4480x768xf32, #tpu.memory_space<hbm>>) target(%arg6 : memref<64x768xf32, #tpu.memory_space<vmem>>) offsets(%arg5 : memref<64xi32, #tpu.memory_space<vmem>>) semaphore(%arg7 : memref<!tpu.dma_semaphore, #tpu.memory_space<semaphore_mem>>)
    %dma_wait3A = arith.constant 0 : i32
    %dma_wait3A_7 = arith.constant 0 : i32
    %dma_wait3A_8 = tpu.memref_slice %arg2[%dma_wait3A, %dma_wait3A_7] : memref<4480x768xf32, #tpu.memory_space<hbm>> -> memref<4480x768xf32, #tpu.memory_space<hbm>>
    tpu.wait_indirect_dma semaphore(%arg7 : memref<!tpu.dma_semaphore, #tpu.memory_space<semaphore_mem>>) src(%dma_wait3A_8 : memref<4480x768xf32, #tpu.memory_space<hbm>>) dst(%arg6 : memref<64x768xf32, #tpu.memory_space<vmem>>)
    %add3A_9 = arith.constant 0 : i32
    %add3A_10 = arith.addi %mul3A_2, %add3A_9 : i32
    "tpu.region"() ({
      %run_scoped3A = tpu.sem_alloc : memref<!tpu.dma_semaphore, #tpu.memory_space<semaphore_mem>>
      %dma_start3A_11 = arith.constant 0 : i32
      %dma_start3A_12 = tpu.memref_slice %arg4[%add3A_10, %dma_start3A_11] : memref<2048x768xf32, #tpu.memory_space<hbm>> -> memref<64x768xf32, #tpu.memory_space<hbm>>
      %dma_start3A_13 = arith.constant 0 : i32
      %dma_start3A_14 = tpu.memref_slice %arg4[%add3A_10, %dma_start3A_13] : memref<2048x768xf32, #tpu.memory_space<hbm>> -> memref<64x768xf32, #tpu.memory_space<hbm>>
      tpu.enqueue_dma source(%arg6 : memref<64x768xf32, #tpu.memory_space<vmem>>) target(%dma_start3A_14 : memref<64x768xf32, #tpu.memory_space<hbm>>) target_semaphore(%run_scoped3A : memref<!tpu.dma_semaphore, #tpu.memory_space<semaphore_mem>>)
      %dma_wait3A_15 = arith.constant 0 : i32
      %dma_wait3A_16 = tpu.memref_slice %arg4[%add3A_10, %dma_wait3A_15] : memref<2048x768xf32, #tpu.memory_space<hbm>> -> memref<64x768xf32, #tpu.memory_space<hbm>>
      %dma_wait3A_17 = arith.constant 0 : i32
      %dma_wait3A_18 = tpu.memref_slice %arg4[%add3A_10, %dma_wait3A_17] : memref<2048x768xf32, #tpu.memory_space<hbm>> -> memref<64x768xf32, #tpu.memory_space<hbm>>
      tpu.wait_dma2 semaphore(%run_scoped3A : memref<!tpu.dma_semaphore, #tpu.memory_space<semaphore_mem>>) src(%arg6 : memref<64x768xf32, #tpu.memory_space<vmem>>) dst(%dma_wait3A_18 : memref<64x768xf32, #tpu.memory_space<hbm>>)
      tpu.yield
    }) : () -> ()
    return
  }
}

#map = affine_map<(d0, d1) -> (0, 0)>
#map1 = affine_map<(d0, d1) -> (0)>
module attributes {stable_mosaic.version = 14 : i64} {
  func.func @k(%arg0: i32, %arg1: i32, %arg2: memref<2048x768xf32, #tpu.memory_space<hbm>>, %arg3: memref<2048xi32, #tpu.memory_space<hbm>>, %arg4: memref<4480x768xf32, #tpu.memory_space<hbm>>, %arg5: memref<64xi32, #tpu.memory_space<vmem>>, %arg6: memref<64x768xf32, #tpu.memory_space<vmem>>, %arg7: memref<!tpu.dma_semaphore, #tpu.memory_space<semaphore_mem>>) attributes {dimension_semantics = [#tpu.dimension_semantics<core_parallel>, #tpu.dimension_semantics<subcore_parallel>], iteration_bounds = array<i64: 2, 16>, scalar_prefetch = 0 : i64, scratch_operands = 3 : i64, tpu.core_type = #tpu.core_type<sc_vector_subcore>, window_params = [{transform_indices = #map}, {transform_indices = #map1}, {transform_indices = #map}]} {
    %mul3A = arith.constant 2 : i32
    %mul3A_0 = arith.muli %arg1, %mul3A : i32
    %add3A = arith.addi %mul3A_0, %arg0 : i32
    %mul3A_1 = arith.constant 64 : i32
    %mul3A_2 = arith.muli %add3A, %mul3A_1 : i32
    %add3A_3 = arith.constant 0 : i32
    %add3A_4 = arith.addi %mul3A_2, %add3A_3 : i32
    "tpu.region"() ({
      %run_scoped3A = tpu.sem_alloc : memref<!tpu.dma_semaphore, #tpu.memory_space<semaphore_mem>>
      %dma_start3A_11 = tpu.memref_slice %arg3[%add3A_4] : memref<2048xi32, #tpu.memory_space<hbm>> -> memref<64xi32, #tpu.memory_space<hbm>>
      %dma_start3A_12 = tpu.memref_slice %arg3[%add3A_4] : memref<2048xi32, #tpu.memory_space<hbm>> -> memref<64xi32, #tpu.memory_space<hbm>>
      tpu.enqueue_dma source(%dma_start3A_12 : memref<64xi32, #tpu.memory_space<hbm>>) target(%arg5 : memref<64xi32, #tpu.memory_space<vmem>>) target_semaphore(%run_scoped3A : memref<!tpu.dma_semaphore, #tpu.memory_space<semaphore_mem>>)
      %dma_wait3A_13 = tpu.memref_slice %arg3[%add3A_4] : memref<2048xi32, #tpu.memory_space<hbm>> -> memref<64xi32, #tpu.memory_space<hbm>>
      %dma_wait3A_14 = tpu.memref_slice %arg3[%add3A_4] : memref<2048xi32, #tpu.memory_space<hbm>> -> memref<64xi32, #tpu.memory_space<hbm>>
      tpu.wait_dma2 semaphore(%run_scoped3A : memref<!tpu.dma_semaphore, #tpu.memory_space<semaphore_mem>>) src(%dma_wait3A_14 : memref<64xi32, #tpu.memory_space<hbm>>) dst(%arg5 : memref<64xi32, #tpu.memory_space<vmem>>)
      tpu.yield
    }) : () -> ()
    %add3A_5 = arith.constant 0 : i32
    %add3A_6 = arith.addi %mul3A_2, %add3A_5 : i32
    "tpu.region"() ({
      %run_scoped3A = tpu.sem_alloc : memref<!tpu.dma_semaphore, #tpu.memory_space<semaphore_mem>>
      %dma_start3A_11 = arith.constant 0 : i32
      %dma_start3A_12 = tpu.memref_slice %arg2[%add3A_6, %dma_start3A_11] : memref<2048x768xf32, #tpu.memory_space<hbm>> -> memref<64x768xf32, #tpu.memory_space<hbm>>
      %dma_start3A_13 = arith.constant 0 : i32
      %dma_start3A_14 = tpu.memref_slice %arg2[%add3A_6, %dma_start3A_13] : memref<2048x768xf32, #tpu.memory_space<hbm>> -> memref<64x768xf32, #tpu.memory_space<hbm>>
      tpu.enqueue_dma source(%dma_start3A_14 : memref<64x768xf32, #tpu.memory_space<hbm>>) target(%arg6 : memref<64x768xf32, #tpu.memory_space<vmem>>) target_semaphore(%run_scoped3A : memref<!tpu.dma_semaphore, #tpu.memory_space<semaphore_mem>>)
      %dma_wait3A_15 = arith.constant 0 : i32
      %dma_wait3A_16 = tpu.memref_slice %arg2[%add3A_6, %dma_wait3A_15] : memref<2048x768xf32, #tpu.memory_space<hbm>> -> memref<64x768xf32, #tpu.memory_space<hbm>>
      %dma_wait3A_17 = arith.constant 0 : i32
      %dma_wait3A_18 = tpu.memref_slice %arg2[%add3A_6, %dma_wait3A_17] : memref<2048x768xf32, #tpu.memory_space<hbm>> -> memref<64x768xf32, #tpu.memory_space<hbm>>
      tpu.wait_dma2 semaphore(%run_scoped3A : memref<!tpu.dma_semaphore, #tpu.memory_space<semaphore_mem>>) src(%dma_wait3A_18 : memref<64x768xf32, #tpu.memory_space<hbm>>) dst(%arg6 : memref<64x768xf32, #tpu.memory_space<vmem>>)
      tpu.yield
    }) : () -> ()
    %dma_start3A = arith.constant 0 : i32
    %dma_start3A_7 = arith.constant 0 : i32
    %dma_start3A_8 = tpu.memref_slice %arg4[%dma_start3A, %dma_start3A_7] : memref<4480x768xf32, #tpu.memory_space<hbm>> -> memref<4480x768xf32, #tpu.memory_space<hbm>>
    tpu.enqueue_indirect_dma source(%arg6 : memref<64x768xf32, #tpu.memory_space<vmem>>) target(%dma_start3A_8 : memref<4480x768xf32, #tpu.memory_space<hbm>>) offsets(%arg5 : memref<64xi32, #tpu.memory_space<vmem>>) semaphore(%arg7 : memref<!tpu.dma_semaphore, #tpu.memory_space<semaphore_mem>>)
    %dma_wait3A = arith.constant 0 : i32
    %dma_wait3A_9 = arith.constant 0 : i32
    %dma_wait3A_10 = tpu.memref_slice %arg4[%dma_wait3A, %dma_wait3A_9] : memref<4480x768xf32, #tpu.memory_space<hbm>> -> memref<4480x768xf32, #tpu.memory_space<hbm>>
    tpu.wait_indirect_dma semaphore(%arg7 : memref<!tpu.dma_semaphore, #tpu.memory_space<semaphore_mem>>) src(%arg6 : memref<64x768xf32, #tpu.memory_space<vmem>>) dst(%dma_wait3A_10 : memref<4480x768xf32, #tpu.memory_space<hbm>>)
    return
  }
}

module attributes {stable_mosaic.version = 14 : i64} {
  func.func @_route_body(%arg0: memref<2048x768xf32, #tpu.memory_space<vmem>>, %arg1: memref<768x16xf32, #tpu.memory_space<vmem>>, %arg2: memref<2048xi32, #tpu.memory_space<vmem>>, %arg3: memref<36xi32, #tpu.memory_space<vmem>>) attributes {dimension_semantics = [], scalar_prefetch = 0 : i64, scratch_operands = 0 : i64, tpu.core_type = #tpu.core_type<tc>} {
    %get3A = arith.constant 0 : index
    %get3A_0 = arith.constant 0 : index
    %get3A_1 = vector.load %arg0[%get3A, %get3A_0] : memref<2048x768xf32, #tpu.memory_space<vmem>>, vector<2048x768xf32>
    %get3A_2 = arith.constant 0 : index
    %get3A_3 = arith.constant 0 : index
    %get3A_4 = vector.load %arg1[%get3A_2, %get3A_3] : memref<768x16xf32, #tpu.memory_space<vmem>>, vector<768x16xf32>
    %dot_general3A = arith.constant dense<0.000000e+00> : vector<2048x16xf32>
    %dot_general3A_5 = tpu.matmul %get3A_1, %get3A_4, %dot_general3A {dimension_numbers = #tpu.dot_dimension_numbers<[1], [0], [0], [1], [0, 0, 1, 1], [], []>, transpose_lhs_hint = false} : vector<2048x768xf32>, vector<768x16xf32>, vector<2048x16xf32> -> vector<2048x16xf32>
    %reduce_max3A = arith.constant dense<0xFF800000> : vector<2048xf32>
    %reduce_max3A_6 = vector.multi_reduction <maximumf>, %dot_general3A_5, %reduce_max3A [1] : vector<2048x16xf32> to vector<2048xf32>
    %broadcast_in_dim3A = vector.shape_cast %reduce_max3A_6 : vector<2048xf32> to vector<2048x1xf32>
    %sub3A = vector.broadcast %broadcast_in_dim3A : vector<2048x1xf32> to vector<2048x16xf32>
    %sub3A_7 = arith.subf %dot_general3A_5, %sub3A : vector<2048x16xf32>
    %exp3A = math.exp %sub3A_7 : vector<2048x16xf32>
    %reduce_sum3A = arith.constant dense<0.000000e+00> : vector<2048xf32>
    %reduce_sum3A_8 = vector.multi_reduction <add>, %exp3A, %reduce_sum3A [1] : vector<2048x16xf32> to vector<2048xf32>
    %broadcast_in_dim3A_9 = vector.shape_cast %reduce_sum3A_8 : vector<2048xf32> to vector<2048x1xf32>
    %div3A = vector.broadcast %broadcast_in_dim3A_9 : vector<2048x1xf32> to vector<2048x16xf32>
    %div3A_10 = arith.divf %exp3A, %div3A : vector<2048x16xf32>
    %argmax3A = tpu.reduce_index %div3A_10 {axis = 1 : i32, kind = #tpu.reduction_kind<arg_max>} : vector<2048x16xf32> -> vector<2048xi32>
    %broadcast_in_dim3A_11 = vector.shape_cast %argmax3A : vector<2048xi32> to vector<2048x1xi32>
    %iota3A = tpu.iota {dimensions = array<i32: 1>} : vector<1x16xi32>
    %eq3A = vector.broadcast %broadcast_in_dim3A_11 : vector<2048x1xi32> to vector<2048x16xi32>
    %eq3A_12 = vector.broadcast %iota3A : vector<1x16xi32> to vector<2048x16xi32>
    %eq3A_13 = arith.cmpi eq, %eq3A, %eq3A_12 : vector<2048x16xi32>
    %convert_element_type3A = arith.extui %eq3A_13 : vector<2048x16xi1> to vector<2048x16xi32>
    %broadcast_in_dim3A_14 = arith.constant 0 : i32
    %broadcast_in_dim3A_15 = vector.broadcast %broadcast_in_dim3A_14 : i32 to vector<1x16xi32>
    %slice3A = vector.extract_strided_slice %convert_element_type3A {offsets = [0, 0], sizes = [2047, 16], strides = [1, 1]} : vector<2048x16xi32> to vector<2047x16xi32>
    %concatenate3A = tpu.concatenate %broadcast_in_dim3A_15, %slice3A in 0 : vector<1x16xi32>, vector<2047x16xi32> -> vector<2048x16xi32>
    %add3A = arith.addi %convert_element_type3A, %concatenate3A : vector<2048x16xi32>
    %broadcast_in_dim3A_16 = arith.constant 0 : i32
    %broadcast_in_dim3A_17 = vector.broadcast %broadcast_in_dim3A_16 : i32 to vector<2x16xi32>
    %slice3A_18 = vector.extract_strided_slice %add3A {offsets = [0, 0], sizes = [2046, 16], strides = [1, 1]} : vector<2048x16xi32> to vector<2046x16xi32>
    %concatenate3A_19 = tpu.concatenate %broadcast_in_dim3A_17, %slice3A_18 in 0 : vector<2x16xi32>, vector<2046x16xi32> -> vector<2048x16xi32>
    %add3A_20 = arith.addi %add3A, %concatenate3A_19 : vector<2048x16xi32>
    %broadcast_in_dim3A_21 = arith.constant 0 : i32
    %broadcast_in_dim3A_22 = vector.broadcast %broadcast_in_dim3A_21 : i32 to vector<4x16xi32>
    %slice3A_23 = vector.extract_strided_slice %add3A_20 {offsets = [0, 0], sizes = [2044, 16], strides = [1, 1]} : vector<2048x16xi32> to vector<2044x16xi32>
    %concatenate3A_24 = tpu.concatenate %broadcast_in_dim3A_22, %slice3A_23 in 0 : vector<4x16xi32>, vector<2044x16xi32> -> vector<2048x16xi32>
    %add3A_25 = arith.addi %add3A_20, %concatenate3A_24 : vector<2048x16xi32>
    %broadcast_in_dim3A_26 = arith.constant 0 : i32
    %broadcast_in_dim3A_27 = vector.broadcast %broadcast_in_dim3A_26 : i32 to vector<8x16xi32>
    %slice3A_28 = vector.extract_strided_slice %add3A_25 {offsets = [0, 0], sizes = [2040, 16], strides = [1, 1]} : vector<2048x16xi32> to vector<2040x16xi32>
    %concatenate3A_29 = tpu.concatenate %broadcast_in_dim3A_27, %slice3A_28 in 0 : vector<8x16xi32>, vector<2040x16xi32> -> vector<2048x16xi32>
    %add3A_30 = arith.addi %add3A_25, %concatenate3A_29 : vector<2048x16xi32>
    %broadcast_in_dim3A_31 = arith.constant 0 : i32
    %broadcast_in_dim3A_32 = vector.broadcast %broadcast_in_dim3A_31 : i32 to vector<16x16xi32>
    %slice3A_33 = vector.extract_strided_slice %add3A_30 {offsets = [0, 0], sizes = [2032, 16], strides = [1, 1]} : vector<2048x16xi32> to vector<2032x16xi32>
    %concatenate3A_34 = tpu.concatenate %broadcast_in_dim3A_32, %slice3A_33 in 0 : vector<16x16xi32>, vector<2032x16xi32> -> vector<2048x16xi32>
    %add3A_35 = arith.addi %add3A_30, %concatenate3A_34 : vector<2048x16xi32>
    %broadcast_in_dim3A_36 = arith.constant 0 : i32
    %broadcast_in_dim3A_37 = vector.broadcast %broadcast_in_dim3A_36 : i32 to vector<32x16xi32>
    %slice3A_38 = vector.extract_strided_slice %add3A_35 {offsets = [0, 0], sizes = [2016, 16], strides = [1, 1]} : vector<2048x16xi32> to vector<2016x16xi32>
    %concatenate3A_39 = tpu.concatenate %broadcast_in_dim3A_37, %slice3A_38 in 0 : vector<32x16xi32>, vector<2016x16xi32> -> vector<2048x16xi32>
    %add3A_40 = arith.addi %add3A_35, %concatenate3A_39 : vector<2048x16xi32>
    %broadcast_in_dim3A_41 = arith.constant 0 : i32
    %broadcast_in_dim3A_42 = vector.broadcast %broadcast_in_dim3A_41 : i32 to vector<64x16xi32>
    %slice3A_43 = vector.extract_strided_slice %add3A_40 {offsets = [0, 0], sizes = [1984, 16], strides = [1, 1]} : vector<2048x16xi32> to vector<1984x16xi32>
    %concatenate3A_44 = tpu.concatenate %broadcast_in_dim3A_42, %slice3A_43 in 0 : vector<64x16xi32>, vector<1984x16xi32> -> vector<2048x16xi32>
    %add3A_45 = arith.addi %add3A_40, %concatenate3A_44 : vector<2048x16xi32>
    %broadcast_in_dim3A_46 = arith.constant 0 : i32
    %broadcast_in_dim3A_47 = vector.broadcast %broadcast_in_dim3A_46 : i32 to vector<128x16xi32>
    %slice3A_48 = vector.extract_strided_slice %add3A_45 {offsets = [0, 0], sizes = [1920, 16], strides = [1, 1]} : vector<2048x16xi32> to vector<1920x16xi32>
    %concatenate3A_49 = tpu.concatenate %broadcast_in_dim3A_47, %slice3A_48 in 0 : vector<128x16xi32>, vector<1920x16xi32> -> vector<2048x16xi32>
    %add3A_50 = arith.addi %add3A_45, %concatenate3A_49 : vector<2048x16xi32>
    %broadcast_in_dim3A_51 = arith.constant 0 : i32
    %broadcast_in_dim3A_52 = vector.broadcast %broadcast_in_dim3A_51 : i32 to vector<256x16xi32>
    %slice3A_53 = vector.extract_strided_slice %add3A_50 {offsets = [0, 0], sizes = [1792, 16], strides = [1, 1]} : vector<2048x16xi32> to vector<1792x16xi32>
    %concatenate3A_54 = tpu.concatenate %broadcast_in_dim3A_52, %slice3A_53 in 0 : vector<256x16xi32>, vector<1792x16xi32> -> vector<2048x16xi32>
    %add3A_55 = arith.addi %add3A_50, %concatenate3A_54 : vector<2048x16xi32>
    %broadcast_in_dim3A_56 = arith.constant 0 : i32
    %broadcast_in_dim3A_57 = vector.broadcast %broadcast_in_dim3A_56 : i32 to vector<512x16xi32>
    %slice3A_58 = vector.extract_strided_slice %add3A_55 {offsets = [0, 0], sizes = [1536, 16], strides = [1, 1]} : vector<2048x16xi32> to vector<1536x16xi32>
    %concatenate3A_59 = tpu.concatenate %broadcast_in_dim3A_57, %slice3A_58 in 0 : vector<512x16xi32>, vector<1536x16xi32> -> vector<2048x16xi32>
    %add3A_60 = arith.addi %add3A_55, %concatenate3A_59 : vector<2048x16xi32>
    %broadcast_in_dim3A_61 = arith.constant 0 : i32
    %broadcast_in_dim3A_62 = vector.broadcast %broadcast_in_dim3A_61 : i32 to vector<1024x16xi32>
    %slice3A_63 = vector.extract_strided_slice %add3A_60 {offsets = [0, 0], sizes = [1024, 16], strides = [1, 1]} : vector<2048x16xi32> to vector<1024x16xi32>
    %concatenate3A_64 = tpu.concatenate %broadcast_in_dim3A_62, %slice3A_63 in 0 : vector<1024x16xi32>, vector<1024x16xi32> -> vector<2048x16xi32>
    %add3A_65 = arith.addi %add3A_60, %concatenate3A_64 : vector<2048x16xi32>
    %slice3A_66 = vector.extract_strided_slice %add3A_65 {offsets = [2047, 0], sizes = [1, 16], strides = [1, 1]} : vector<2048x16xi32> to vector<1x16xi32>
    %iota3A_67 = tpu.iota {dimensions = array<i32: 1>} : vector<16x16xi32>
    %iota3A_68 = tpu.iota {dimensions = array<i32: 0>} : vector<16x16xi32>
    %le3A = arith.cmpi sle, %iota3A_68, %iota3A_67 : vector<16x16xi32>
    %convert_element_type3A_69 = arith.extui %le3A : vector<16x16xi1> to vector<16x16xi32>
    %convert_element_type3A_70 = arith.sitofp %convert_element_type3A_69 : vector<16x16xi32> to vector<16x16xf32>
    %add3A_71 = arith.constant 159 : i32
    %add3A_72 = vector.broadcast %add3A_71 : i32 to vector<1x16xi32>
    %add3A_73 = arith.addi %slice3A_66, %add3A_72 : vector<1x16xi32>
    %jit3A = arith.constant 160 : i32
    %div3A_74 = vector.broadcast %jit3A : i32 to vector<1x16xi32>
    %div3A_75 = arith.divsi %add3A_73, %div3A_74 : vector<1x16xi32>
    %sign3A = arith.constant 0 : i32
    %sign3A_76 = vector.broadcast %sign3A : i32 to vector<1x16xi32>
    %sign3A_77 = arith.cmpi sgt, %add3A_73, %sign3A_76 : vector<1x16xi32>
    %sign3A_78 = arith.extui %sign3A_77 : vector<1x16xi1> to vector<1x16xi32>
    %sign3A_79 = arith.constant 0 : i32
    %sign3A_80 = vector.broadcast %sign3A_79 : i32 to vector<1x16xi32>
    %sign3A_81 = arith.cmpi slt, %add3A_73, %sign3A_80 : vector<1x16xi32>
    %sign3A_82 = arith.extui %sign3A_81 : vector<1x16xi1> to vector<1x16xi32>
    %sign3A_83 = arith.subi %sign3A_78, %sign3A_82 : vector<1x16xi32>
    %sign3A_84 = arith.constant 0 : i32
    %sign3A_85 = arith.cmpi sgt, %jit3A, %sign3A_84 : i32
    %sign3A_86 = arith.extui %sign3A_85 : i1 to i32
    %sign3A_87 = arith.constant 0 : i32
    %sign3A_88 = arith.cmpi slt, %jit3A, %sign3A_87 : i32
    %sign3A_89 = arith.extui %sign3A_88 : i1 to i32
    %sign3A_90 = arith.subi %sign3A_86, %sign3A_89 : i32
    %ne3A = vector.broadcast %sign3A_90 : i32 to vector<1x16xi32>
    %ne3A_91 = arith.cmpi ne, %sign3A_83, %ne3A : vector<1x16xi32>
    %rem3A = vector.broadcast %jit3A : i32 to vector<1x16xi32>
    %rem3A_92 = arith.remsi %add3A_73, %rem3A : vector<1x16xi32>
    %ne3A_93 = arith.constant 0 : i32
    %ne3A_94 = vector.broadcast %ne3A_93 : i32 to vector<1x16xi32>
    %ne3A_95 = arith.cmpi ne, %rem3A_92, %ne3A_94 : vector<1x16xi32>
    %and3A = arith.andi %ne3A_91, %ne3A_95 : vector<1x16xi1>
    %sub3A_96 = arith.constant 1 : i32
    %sub3A_97 = vector.broadcast %sub3A_96 : i32 to vector<1x16xi32>
    %sub3A_98 = arith.subi %div3A_75, %sub3A_97 : vector<1x16xi32>
    %select_n3A = arith.select %and3A, %sub3A_98, %div3A_75 : vector<1x16xi1>, vector<1x16xi32>
    %convert_element_type3A_99 = arith.sitofp %select_n3A : vector<1x16xi32> to vector<1x16xf32>
    %dot_general3A_100 = arith.constant dense<0.000000e+00> : vector<1x16xf32>
    %dot_general3A_101 = tpu.matmul %convert_element_type3A_99, %convert_element_type3A_70, %dot_general3A_100 {dimension_numbers = #tpu.dot_dimension_numbers<[1], [0], [0], [1], [0, 0, 1, 1], [], []>, transpose_lhs_hint = false} : vector<1x16xf32>, vector<16x16xf32>, vector<1x16xf32> -> vector<1x16xf32>
    %convert_element_type3A_102 = arith.fptosi %dot_general3A_101 : vector<1x16xf32> to vector<1x16xi32>
    %convert_element_type3A_103 = arith.fptosi %convert_element_type3A_99 : vector<1x16xf32> to vector<1x16xi32>
    %sub3A_104 = arith.subi %convert_element_type3A_102, %convert_element_type3A_103 : vector<1x16xi32>
    %slice3A_105 = vector.extract_strided_slice %convert_element_type3A_102 {offsets = [0, 15], sizes = [1, 1], strides = [1, 1]} : vector<1x16xi32> to vector<1x1xi32>
    %squeeze3A = vector.extract %slice3A_105[0, 0] : i32 from vector<1x1xi32>
    %mul3A = arith.muli %add3A_65, %convert_element_type3A : vector<2048x16xi32>
    %reduce_sum3A_106 = arith.constant dense<0> : vector<2048xi32>
    %reduce_sum3A_107 = vector.multi_reduction <add>, %mul3A, %reduce_sum3A_106 [1] : vector<2048x16xi32> to vector<2048xi32>
    %sub3A_108 = arith.constant 1 : i32
    %sub3A_109 = vector.broadcast %sub3A_108 : i32 to vector<2048xi32>
    %sub3A_110 = arith.subi %reduce_sum3A_107, %sub3A_109 : vector<2048xi32>
    %mul3A_111 = vector.broadcast %sub3A_104 : vector<1x16xi32> to vector<2048x16xi32>
    %mul3A_112 = arith.muli %mul3A_111, %convert_element_type3A : vector<2048x16xi32>
    %reduce_sum3A_113 = arith.constant dense<0> : vector<2048xi32>
    %reduce_sum3A_114 = vector.multi_reduction <add>, %mul3A_112, %reduce_sum3A_113 [1] : vector<2048x16xi32> to vector<2048xi32>
    %jit3A_115 = arith.constant 160 : i32
    %div3A_116 = vector.broadcast %jit3A_115 : i32 to vector<2048xi32>
    %div3A_117 = arith.divsi %sub3A_110, %div3A_116 : vector<2048xi32>
    %sign3A_118 = arith.constant 0 : i32
    %sign3A_119 = vector.broadcast %sign3A_118 : i32 to vector<2048xi32>
    %sign3A_120 = arith.cmpi sgt, %sub3A_110, %sign3A_119 : vector<2048xi32>
    %sign3A_121 = arith.extui %sign3A_120 : vector<2048xi1> to vector<2048xi32>
    %sign3A_122 = arith.constant 0 : i32
    %sign3A_123 = vector.broadcast %sign3A_122 : i32 to vector<2048xi32>
    %sign3A_124 = arith.cmpi slt, %sub3A_110, %sign3A_123 : vector<2048xi32>
    %sign3A_125 = arith.extui %sign3A_124 : vector<2048xi1> to vector<2048xi32>
    %sign3A_126 = arith.subi %sign3A_121, %sign3A_125 : vector<2048xi32>
    %sign3A_127 = arith.constant 0 : i32
    %sign3A_128 = arith.cmpi sgt, %jit3A_115, %sign3A_127 : i32
    %sign3A_129 = arith.extui %sign3A_128 : i1 to i32
    %sign3A_130 = arith.constant 0 : i32
    %sign3A_131 = arith.cmpi slt, %jit3A_115, %sign3A_130 : i32
    %sign3A_132 = arith.extui %sign3A_131 : i1 to i32
    %sign3A_133 = arith.subi %sign3A_129, %sign3A_132 : i32
    %ne3A_134 = vector.broadcast %sign3A_133 : i32 to vector<2048xi32>
    %ne3A_135 = arith.cmpi ne, %sign3A_126, %ne3A_134 : vector<2048xi32>
    %rem3A_136 = vector.broadcast %jit3A_115 : i32 to vector<2048xi32>
    %rem3A_137 = arith.remsi %sub3A_110, %rem3A_136 : vector<2048xi32>
    %ne3A_138 = arith.constant 0 : i32
    %ne3A_139 = vector.broadcast %ne3A_138 : i32 to vector<2048xi32>
    %ne3A_140 = arith.cmpi ne, %rem3A_137, %ne3A_139 : vector<2048xi32>
    %and3A_141 = arith.andi %ne3A_135, %ne3A_140 : vector<2048xi1>
    %sub3A_142 = arith.constant 1 : i32
    %sub3A_143 = vector.broadcast %sub3A_142 : i32 to vector<2048xi32>
    %sub3A_144 = arith.subi %div3A_117, %sub3A_143 : vector<2048xi32>
    %select_n3A_145 = arith.select %and3A_141, %sub3A_144, %div3A_117 : vector<2048xi1>, vector<2048xi32>
    %add3A_146 = arith.addi %reduce_sum3A_114, %select_n3A_145 : vector<2048xi32>
    %mul3A_147 = arith.constant 160 : i32
    %mul3A_148 = vector.broadcast %mul3A_147 : i32 to vector<2048xi32>
    %mul3A_149 = arith.muli %add3A_146, %mul3A_148 : vector<2048xi32>
    %jit3A_150 = arith.constant 160 : i32
    %eq3A_151 = arith.constant 0 : i32
    %eq3A_152 = arith.cmpi eq, %jit3A_150, %eq3A_151 : i32
    %jit3A_153 = arith.constant 1 : i32
    %select_n3A_154 = arith.select %eq3A_152, %jit3A_153, %jit3A_150 : i32
    %rem3A_155 = vector.broadcast %select_n3A_154 : i32 to vector<2048xi32>
    %rem3A_156 = arith.remsi %sub3A_110, %rem3A_155 : vector<2048xi32>
    %ne3A_157 = arith.constant 0 : i32
    %ne3A_158 = vector.broadcast %ne3A_157 : i32 to vector<2048xi32>
    %ne3A_159 = arith.cmpi ne, %rem3A_156, %ne3A_158 : vector<2048xi32>
    %lt3A = arith.constant 0 : i32
    %lt3A_160 = vector.broadcast %lt3A : i32 to vector<2048xi32>
    %lt3A_161 = arith.cmpi slt, %rem3A_156, %lt3A_160 : vector<2048xi32>
    %lt3A_162 = arith.constant 0 : i32
    %lt3A_163 = arith.cmpi slt, %select_n3A_154, %lt3A_162 : i32
    %ne3A_164 = vector.broadcast %lt3A_163 : i1 to vector<2048xi1>
    %ne3A_165 = vector.broadcast %ne3A_164 : vector<2048xi1> to vector<2048xi1>
    %ne3A_166 = arith.xori %lt3A_161, %ne3A_165 : vector<2048xi1>
    %and3A_167 = arith.andi %ne3A_166, %ne3A_159 : vector<2048xi1>
    %add3A_168 = vector.broadcast %select_n3A_154 : i32 to vector<2048xi32>
    %add3A_169 = arith.addi %rem3A_156, %add3A_168 : vector<2048xi32>
    %select_n3A_170 = arith.select %and3A_167, %add3A_169, %rem3A_156 : vector<2048xi1>, vector<2048xi32>
    %add3A_171 = arith.addi %mul3A_149, %select_n3A_170 : vector<2048xi32>
    %swap3A = arith.constant 0 : index
    %swap3A_172 = vector.load %arg2[%swap3A] : memref<2048xi32, #tpu.memory_space<vmem>>, vector<2048xi32>
    tpu.vector_store %arg2[%swap3A], %add3A_171 {strides = array<i32>} : memref<2048xi32, #tpu.memory_space<vmem>>, vector<2048xi32>,
    %iota3A_173 = tpu.iota {dimensions = array<i32: 0>} : vector<28x16xi32>
    %ge3A = vector.broadcast %convert_element_type3A_102 : vector<1x16xi32> to vector<28x16xi32>
    %ge3A_174 = arith.cmpi sge, %iota3A_173, %ge3A : vector<28x16xi32>
    %convert_element_type3A_175 = arith.extui %ge3A_174 : vector<28x16xi1> to vector<28x16xi32>
    %reduce_sum3A_176 = arith.constant dense<0> : vector<28xi32>
    %reduce_sum3A_177 = vector.multi_reduction <add>, %convert_element_type3A_175, %reduce_sum3A_176 [1] : vector<28x16xi32> to vector<28xi32>
    %min3A = arith.constant 15 : i32
    %min3A_178 = vector.broadcast %min3A : i32 to vector<28xi32>
    %min3A_179 = arith.minsi %reduce_sum3A_177, %min3A_178 : vector<28xi32>
    %broadcast_in_dim3A_180 = vector.broadcast %squeeze3A : i32 to vector<8xi32>
    %concatenate3A_181 = tpu.concatenate %min3A_179, %broadcast_in_dim3A_180 in 0 : vector<28xi32>, vector<8xi32> -> vector<36xi32>
    %swap3A_182 = arith.constant 0 : index
    %swap3A_183 = vector.load %arg3[%swap3A_182] : memref<36xi32, #tpu.memory_space<vmem>>, vector<36xi32>
    tpu.vector_store %arg3[%swap3A_182], %concatenate3A_181 {strides = array<i32>} : memref<36xi32, #tpu.memory_space<vmem>>, vector<36xi32>,
    return
  }
}

module attributes {stable_mosaic.version = 14 : i64} {
  func.func @_moe_body(%arg0: i32, %arg1: memref<28xi32, #tpu.memory_space<smem>>, %arg2: memref<1xi32, #tpu.memory_space<smem>>, %arg3: memref<160x768xf32, #tpu.memory_space<vmem>>, %arg4: memref<1x768x2048xf32, #tpu.memory_space<vmem>>, %arg5: memref<1x1x2048xf32, #tpu.memory_space<vmem>>, %arg6: memref<1x2048x768xf32, #tpu.memory_space<vmem>>, %arg7: memref<1x1x768xf32, #tpu.memory_space<vmem>>, %arg8: memref<160x768xf32, #tpu.memory_space<vmem>>) attributes {dimension_semantics = [#tpu.dimension_semantics<arbitrary>], iteration_bounds = array<i64: 28>, scalar_prefetch = 2 : i64, scratch_operands = 0 : i64, tpu.core_type = #tpu.core_type<tc>, window_params = [{transform_indices = @transform_0, window_bounds = array<i64: 160, 768>}, {transform_indices = @transform_1, window_bounds = array<i64: 1, 768, 2048>}, {transform_indices = @transform_2, window_bounds = array<i64: 1, 1, 2048>}, {transform_indices = @transform_3, window_bounds = array<i64: 1, 2048, 768>}, {transform_indices = @transform_4, window_bounds = array<i64: 1, 1, 768>}, {transform_indices = @transform_5, window_bounds = array<i64: 160, 768>}]} {
    %get3A = arith.constant 0 : index
    %get3A_0 = memref.load %arg2[%get3A] : memref<1xi32, #tpu.memory_space<smem>>
    %lt3A = arith.cmpi slt, %arg0, %get3A_0 : i32
    %convert_element_type3A = arith.extui %lt3A : i1 to i32
    %cond3A = arith.constant 0 : i32
    %cond3A_1 = arith.cmpi ne, %convert_element_type3A, %cond3A : i32
    scf.if %cond3A_1 {
      %get3A_2 = arith.constant 0 : index
      %get3A_3 = arith.constant 0 : index
      %get3A_4 = vector.load %arg3[%get3A_2, %get3A_3] : memref<160x768xf32, #tpu.memory_space<vmem>>, vector<160x768xf32>
      %get3A_5 = arith.constant 0 : index
      %get3A_6 = arith.constant 0 : index
      %get3A_7 = arith.constant 0 : index
      %get3A_8 = vector.load %arg4[%get3A_5, %get3A_6, %get3A_7] : memref<1x768x2048xf32, #tpu.memory_space<vmem>>, vector<1x768x2048xf32>
      %get3A_9 = vector.shape_cast %get3A_8 : vector<1x768x2048xf32> to vector<768x2048xf32>
      %dot_general3A = arith.constant dense<0.000000e+00> : vector<160x2048xf32>
      %dot_general3A_10 = tpu.matmul %get3A_4, %get3A_9, %dot_general3A {dimension_numbers = #tpu.dot_dimension_numbers<[1], [0], [0], [1], [0, 0, 1, 1], [], []>, transpose_lhs_hint = false} : vector<160x768xf32>, vector<768x2048xf32>, vector<160x2048xf32> -> vector<160x2048xf32>
      %get3A_11 = arith.constant 0 : index
      %get3A_12 = arith.constant 0 : index
      %get3A_13 = arith.constant 0 : index
      %get3A_14 = vector.load %arg5[%get3A_11, %get3A_12, %get3A_13] : memref<1x1x2048xf32, #tpu.memory_space<vmem>>, vector<1x1x2048xf32>
      %get3A_15 = vector.shape_cast %get3A_14 : vector<1x1x2048xf32> to vector<1x2048xf32>
      %add3A = vector.broadcast %get3A_15 : vector<1x2048xf32> to vector<160x2048xf32>
      %add3A_16 = arith.addf %dot_general3A_10, %add3A : vector<160x2048xf32>
      %max3A = arith.constant 0.000000e+00 : f32
      %max3A_17 = vector.broadcast %max3A : f32 to vector<160x2048xf32>
      %max3A_18 = arith.maximumf %add3A_16, %max3A_17 : vector<160x2048xf32>
      %get3A_19 = arith.constant 0 : index
      %get3A_20 = arith.constant 0 : index
      %get3A_21 = arith.constant 0 : index
      %get3A_22 = vector.load %arg6[%get3A_19, %get3A_20, %get3A_21] : memref<1x2048x768xf32, #tpu.memory_space<vmem>>, vector<1x2048x768xf32>
      %get3A_23 = vector.shape_cast %get3A_22 : vector<1x2048x768xf32> to vector<2048x768xf32>
      %dot_general3A_24 = arith.constant dense<0.000000e+00> : vector<160x768xf32>
      %dot_general3A_25 = tpu.matmul %max3A_18, %get3A_23, %dot_general3A_24 {dimension_numbers = #tpu.dot_dimension_numbers<[1], [0], [0], [1], [0, 0, 1, 1], [], []>, transpose_lhs_hint = false} : vector<160x2048xf32>, vector<2048x768xf32>, vector<160x768xf32> -> vector<160x768xf32>
      %get3A_26 = arith.constant 0 : index
      %get3A_27 = arith.constant 0 : index
      %get3A_28 = arith.constant 0 : index
      %get3A_29 = vector.load %arg7[%get3A_26, %get3A_27, %get3A_28] : memref<1x1x768xf32, #tpu.memory_space<vmem>>, vector<1x1x768xf32>
      %get3A_30 = vector.shape_cast %get3A_29 : vector<1x1x768xf32> to vector<1x768xf32>
      %add3A_31 = vector.broadcast %get3A_30 : vector<1x768xf32> to vector<160x768xf32>
      %add3A_32 = arith.addf %dot_general3A_25, %add3A_31 : vector<160x768xf32>
      %swap3A = arith.constant 0 : index
      %swap3A_33 = arith.constant 0 : index
      %swap3A_34 = vector.load %arg8[%swap3A, %swap3A_33] : memref<160x768xf32, #tpu.memory_space<vmem>>, vector<160x768xf32>
      tpu.vector_store %arg8[%swap3A, %swap3A_33], %add3A_32 {strides = array<i32>} : memref<160x768xf32, #tpu.memory_space<vmem>>, vector<160x768xf32>,
    } else {
    }
    return
  }
  func.func @transform_0(%arg0: i32, %arg1: memref<28xi32, #tpu.memory_space<smem>>, %arg2: memref<1xi32, #tpu.memory_space<smem>>) -> (i32, i32) {
    %get3A = arith.constant 0 : index
    %get3A_0 = memref.load %arg2[%get3A] : memref<1xi32, #tpu.memory_space<smem>>
    %sub3A = arith.constant 1 : i32
    %sub3A_1 = arith.subi %get3A_0, %sub3A : i32
    %min3A = arith.minsi %arg0, %sub3A_1 : i32
    %c0_i32 = arith.constant 0 : i32
    %c0_i32_2 = arith.constant 0 : i32
    return %min3A, %c0_i32 : i32, i32
  }
  func.func @transform_1(%arg0: i32, %arg1: memref<28xi32, #tpu.memory_space<smem>>, %arg2: memref<1xi32, #tpu.memory_space<smem>>) -> (i32, i32, i32) {
    %get3A = arith.index_cast %arg0 : i32 to index
    %get3A_0 = memref.load %arg1[%get3A] : memref<28xi32, #tpu.memory_space<smem>>
    %c0_i32 = arith.constant 0 : i32
    %c0_i32_1 = arith.constant 0 : i32
    %c0_i32_2 = arith.constant 0 : i32
    return %get3A_0, %c0_i32, %c0_i32_1 : i32, i32, i32
  }
  func.func @transform_2(%arg0: i32, %arg1: memref<28xi32, #tpu.memory_space<smem>>, %arg2: memref<1xi32, #tpu.memory_space<smem>>) -> (i32, i32, i32) {
    %get3A = arith.index_cast %arg0 : i32 to index
    %get3A_0 = memref.load %arg1[%get3A] : memref<28xi32, #tpu.memory_space<smem>>
    %c0_i32 = arith.constant 0 : i32
    %c0_i32_1 = arith.constant 0 : i32
    %c0_i32_2 = arith.constant 0 : i32
    return %get3A_0, %c0_i32, %c0_i32_1 : i32, i32, i32
  }
  func.func @transform_3(%arg0: i32, %arg1: memref<28xi32, #tpu.memory_space<smem>>, %arg2: memref<1xi32, #tpu.memory_space<smem>>) -> (i32, i32, i32) {
    %get3A = arith.index_cast %arg0 : i32 to index
    %get3A_0 = memref.load %arg1[%get3A] : memref<28xi32, #tpu.memory_space<smem>>
    %c0_i32 = arith.constant 0 : i32
    %c0_i32_1 = arith.constant 0 : i32
    %c0_i32_2 = arith.constant 0 : i32
    return %get3A_0, %c0_i32, %c0_i32_1 : i32, i32, i32
  }
  func.func @transform_4(%arg0: i32, %arg1: memref<28xi32, #tpu.memory_space<smem>>, %arg2: memref<1xi32, #tpu.memory_space<smem>>) -> (i32, i32, i32) {
    %get3A = arith.index_cast %arg0 : i32 to index
    %get3A_0 = memref.load %arg1[%get3A] : memref<28xi32, #tpu.memory_space<smem>>
    %c0_i32 = arith.constant 0 : i32
    %c0_i32_1 = arith.constant 0 : i32
    %c0_i32_2 = arith.constant 0 : i32
    return %get3A_0, %c0_i32, %c0_i32_1 : i32, i32, i32
  }
  func.func @transform_5(%arg0: i32, %arg1: memref<28xi32, #tpu.memory_space<smem>>, %arg2: memref<1xi32, #tpu.memory_space<smem>>) -> (i32, i32) {
    %get3A = arith.constant 0 : index
    %get3A_0 = memref.load %arg2[%get3A] : memref<1xi32, #tpu.memory_space<smem>>
    %sub3A = arith.constant 1 : i32
    %sub3A_1 = arith.subi %get3A_0, %sub3A : i32
    %min3A = arith.minsi %arg0, %sub3A_1 : i32
    %c0_i32 = arith.constant 0 : i32
    %c0_i32_2 = arith.constant 0 : i32
    return %min3A, %c0_i32 : i32, i32
  }
}

</mosaic_0001>

<sc_bundles>
// kernel: kernel.6.cloned.1.call-start
scs
__scs_entry_jumppad:
0x0: {  	(pc) =	sbr.rel $0x88, $3  }
0x1: {  	(tag) =	ssettag $0x0;
	lr =	simm.s32 $0x1  }
0x2: {  	[smem:$0x3F9B] =	sst lr;
	_ =	strace $0xD0000000  }
0x3: {  	_ = 	snop  }
0x4: {  	_ = 	snop  }
0x5: {  	_ = 	snop  }
0x6: {  	_ = 	snop  }
0x7: {  	_ = 	snop  }
__scs_overlays_trampoline_lowered:
0x8: {  	[smem:$0x3FAA] =	sst s0  }
0x9: {  	[smem:$0x3FAB] =	sst s1  }
0xa: {  	[smem:$0x3FAC] =	sst s2  }
0xb: {  	[smem:$0x3FAD] =	sst s3  }
0xc: {  	[smem:$0x3FAE] =	sst s4  }
0xd: {  	[smem:$0x3FAF] =	sst s5  }
0xe: {  	[smem:$0x3FB0] =	sst s6  }
0xf: {  	[smem:$0x3FB1] =	sst s7  }
0x10: {  	[smem:$0x3FB2] =	sst s8  }
0x11: {  	[smem:$0x3FB3] =	sst s9;
	s0 =	simm.s32 @!p0 $0x0  }
0x12: {  	s1 =	sld [smem:$0x3F99];
	s0 =	simm.s32 @p0 $0x1  }
0x13: {  	[smem:$0x3FB4] =	sst s0;
	s0 =	simm.s32 @!p1 $0x0  }
0x14: {  	s2 =	sld [smem:$0x3F98];
	s0 =	simm.s32 @p1 $0x1  }
0x15: {  	[smem:$0x3FB5] =	sst s0;
	s0 =	simm.s32 @!p2 $0x0  }
0x16: {  	s3 =	sld [smem:$0x3FDB];
	s0 =	simm.s32 @p2 $0x1  }
0x17: {  	s4 =	simm.s32 $0x1BF5;
	[smem:$0x3FB7] =	sst s0  }
0x18: {  	s0 =	sld [smem:$0x3F9A];
	_ =	swait.ge [sflag:s4], $0x0  }
0x19: {  	s7 =	sld [smem:$0x3F9B]  }
0x1a: {  	s8 =	sadd.s32 $0xFFFFE003, lr  }
0x1b: {  	s9 =	sadd.s32 $0xFFFFFEF7, lr;
	s5 =	simm.s32 $0xFFFFFFFF;
	p2 =	slt.u32 s8, $0xFFFFF086  }
0x1c: {  	p1 =	slt.u32 s9, $0xF7A;
	s5 =	simm.s32 @!p2 $0x0  }
0x1d: {  	s5 =	simm.s32 @p1 $0x1;
	p0 =	seq.s32 s7, s2  }
0x1e: {  	s7 =	smul.u32 @!p0 $0xF7A, s2;
	p2 =	seq.s32 @!p0 s5, $0x0  }
0x1f: {  	s9 =	smul.u32 $0xF7A, s1;
	s8 =	simm.s32 @!p0 $0x1BF5;
	p2 =	por !p2, p0  }
0x20: {  	[sflag:s8] =	ssyncset.s32 @!p0 $0xFFFFF086;
	s6 =	sadd.s32 @!p0 s3, s7;
	s7 =	simm.s32 @!p0 $0x108  }
0x21: {  	s3 =	sadd.s32 s3, s9;
	s6 =	sadd.s32 @!p0 $0x88, s6;
	s7 =	simm.s32 @p2 $0x1082  }
0x22: {  	[simem:s7], [sflag:s8] =	dma.local @!p0 [hbm:s6], $0xF7A  }
0x23: {  	s9 =	sor.u32 $0xD0000000, s2;
	s6 =	simm.s32 $0x108;
	_ =	swait.ge @!p0 [sflag:s8], $0x0  }
0x24: {  	s3 =	sadd.s32 $0x88, s3;
	s6 =	simm.s32 @!p1 $0x1082;
	[sflag:s4] =	ssyncset.s32 $0xFFFFF086  }
0x25: {  	[simem:s6], [sflag:s4] =	dma.local [hbm:s3], $0xF7A  }
0x26: {  	[smem:$0x3F9B] =	sst s1;
	(tag) =	ssettag s2;
	_ =	strace s9  }
0x27: {  	s1 =	sld [smem:$0x3FAB]  }
0x28: {  	s2 =	sld [smem:$0x3FAC]  }
0x29: {  	s4 =	sld [smem:$0x3FAE]  }
0x2a: {  	p0 =	seq.s32 s5, $0x0;
	s5 =	sld [smem:$0x3FAF]  }
0x2b: {  	s6 =	sld [smem:$0x3FB0]  }
0x2c: {  	s7 =	sld [smem:$0x3FB1]  }
0x2d: {  	s3 =	simm.s32 $0x108;
	s8 =	sld [smem:$0x3FB2]  }
0x2e: {  	s3 =	simm.s32 @!p0 $0x1082;
	s9 =	sld [smem:$0x3FB3]  }
0x2f: {  	lr =	sadd.s32 s0, s3;
	s0 =	sld [smem:$0x3FAA]  }
0x30: {  	s3 =	sld [smem:$0x3FAD]  }
0x31: {  	[smem:$0x3FB6] =	sst s10  }
0x32: {  	s10 =	sld [smem:$0x3FB4];
	_ =	sdelay $0x3  }
0x33: {  	p0 =	seq.s32 s10, $0x1;
	s10 =	sld [smem:$0x3FB6];
	_ =	sdelay $0x3  }
0x34: {  	[smem:$0x3FB6] =	sst s10  }
0x35: {  	s10 =	sld [smem:$0x3FB5];
	_ =	sdelay $0x3  }
0x36: {  	p1 =	seq.s32 s10, $0x1;
	s10 =	sld [smem:$0x3FB6];
	_ =	sdelay $0x3  }
0x37: {  	[smem:$0x3FB6] =	sst s10  }
0x38: {  	s10 =	sld [smem:$0x3FB7]  }
0x39: {  	_ = 	snop;
	(pc) =	sbr.ind lr, $3  }
0x3a: {  	_ = 	snop  }
0x3b: {  	_ = 	snop  }
0x3c: {  	p2 =	seq.s32 s10, $0x1;
	s10 =	sld [smem:$0x3FB6]  }
0x3d: {  	_ =	shalt  }
0x3e: {  	_ =	shalt  }
0x3f: {  	_ =	shalt  }
0x40: {  	_ =	shalt  }
0x41: {  	_ =	shalt  }
0x42: {  	_ =	shalt  }
0x43: {  	_ =	shalt  }
0x44: {  	_ =	shalt  }
0x45: {  	_ =	shalt  }
0x46: {  	_ =	shalt  }
0x47: {  	_ =	shalt  }
0x48: {  	_ =	shalt  }
0x49: {  	_ =	shalt  }
0x4a: {  	_ =	shalt  }
0x4b: {  	_ =	shalt  }
0x4c: {  	_ =	shalt  }
0x4d: {  	_ =	shalt  }
0x4e: {  	_ =	shalt  }
0x4f: {  	_ =	shalt  }
0x50: {  	_ =	shalt  }
0x51: {  	_ =	shalt  }
0x52: {  	_ =	shalt  }
0x53: {  	_ =	shalt  }
0x54: {  	_ =	shalt  }
0x55: {  	_ =	shalt  }
0x56: {  	_ =	shalt  }
0x57: {  	_ =	shalt  }
0x58: {  	_ =	shalt  }
0x59: {  	_ =	shalt  }
0x5a: {  	_ =	shalt  }
0x5b: {  	_ =	shalt  }
0x5c: {  	_ =	shalt  }
0x5d: {  	_ =	shalt  }
0x5e: {  	_ =	shalt  }
0x5f: {  	_ =	shalt  }
0x60: {  	_ =	shalt  }
0x61: {  	_ =	shalt  }
0x62: {  	_ =	shalt  }
0x63: {  	_ =	shalt  }
0x64: {  	_ =	shalt  }
0x65: {  	_ =	shalt  }
0x66: {  	_ =	shalt  }
0x67: {  	_ =	shalt  }
0x68: {  	_ =	shalt  }
0x69: {  	_ =	shalt  }
0x6a: {  	_ =	shalt  }
0x6b: {  	_ =	shalt  }
0x6c: {  	_ =	shalt  }
0x6d: {  	_ =	shalt  }
0x6e: {  	_ =	shalt  }
0x6f: {  	_ =	shalt  }
0x70: {  	_ =	shalt  }
0x71: {  	_ =	shalt  }
0x72: {  	_ =	shalt  }
0x73: {  	_ =	shalt  }
0x74: {  	_ =	shalt  }
0x75: {  	_ =	shalt  }
0x76: {  	_ =	shalt  }
0x77: {  	_ =	shalt  }
0x78: {  	_ =	shalt  }
0x79: {  	_ =	shalt  }
0x7a: {  	_ =	shalt  }
0x7b: {  	_ =	shalt  }
0x7c: {  	_ =	shalt  }
0x7d: {  	_ =	shalt  }
0x7e: {  	_ =	shalt  }
0x7f: {  	_ =	shalt  }
0x80: {  	_ =	shalt  }
0x81: {  	_ =	shalt  }
0x82: {  	_ =	shalt  }
0x83: {  	_ =	shalt  }
0x84: {  	_ =	shalt  }
0x85: {  	_ =	shalt  }
0x86: {  	_ =	shalt  }
0x87: {  	_ =	shalt  }
.Lfunc_end0:
.L_simem_size_0:
called_computation_lowered:
.L_overlay_start_0:
0x88: {  	s2 =	sld [smem:$0x3FD9]  }
0x89: {  	s3 =	sld [smem:$0x3FFE];
	_ =	sdelay $0x1  }
0x8a: {  	s1 =	srdreg.scid  }
0x8b: {  	s0 =	sand.u32 $0x1, s1  }
0x8c: {  	s17 =	sshll.u32 s0, $0xA;
	s2 =	sadd.s32 s3, s2  }
0x8d: {  	s2 =	sadd.s32 s2, s17  }
0x8e: {  	[smem:$0x3FC2] =	sst s2  }
0x8f: {  	_ = 	snop  }
0x90: {  	s2 =	sld [smem:$0x3FC9];
	(tm) =	ssettm $0x1  }
0x91: {  	s18 =	sld [smem:$0x3FFB];
	_ =	sdelay $0x3  }
0x92: {  	_ =	strace s18  }
0x93: {  	s3 =	sld [smem:$0x3FFC];
	_ =	sdelay $0x3  }
0x94: {  	_ =	strace s3  }
0x95: {  	s3 =	sld [smem:$0x3FFD];
	_ =	sdelay $0x3  }
0x96: {  	_ =	strace s3  }
0x97: {  	_ =	strace $0x8FFFFFFF  }
0x98: {  	s19 =	sld [smem:$0x3FDB];
	_ =	sdelay $0x1  }
0x99: {  	s4 =	simm.s32 $_scs_section_size  }
0x9a: {  	s5 =	simm.s32 $_size__tile_overlayer_lowered;
	s6 =	simm.s32 $_tile_overlayer_lowered  }
0x9b: {  	s22 =	simm.s32 $0x1BFF;
	s21 =	sshll.u32 s6, $0x1;
	s3 =	sadd.s32 s4, s19  }
0x9c: {  	s7 =	simm.s32 $0x0;
	s20 =	sshll.u32 s5, $0x1;
	s5 =	sadd.s32 s21, s3  }
0x9d: {  	[timem:s7], [sflag:s22] =	dma.local [hbm:s5], s20  }
0x9e: {  	_ =	swait.ge [sflag:s22], s20  }
0x9f: {  	s4 =	ssub.s32 $0x0, s20;
	[sflag:s22] =	ssyncset.done $0x0  }
0xa0: {  	[sflag:s22] =	ssyncadd.s32 s4;
	_ =	sdelay $0x1  }
0xa1: {  	s23 =	simm.s32 $0x1B8B  }
0xa2: {  	_ =	swait.ge [sflag:s23], $0x1  }
0xa3: {  	[sflag:s23] =	ssyncset.done $0x0  }
0xa4: {  	s25 =	simm.s32 $0x1B8E;
	s24 =	sld [smem:$0x3FFE];
	[sflag:s23] =	ssyncadd.s32 $0xFFFFFFFF  }
0xa5: {  	s26 =	simm.s32 $execute0_lowered;
	[smem:$0x3FD2] =	sst s25  }
0xa6: {  	s5 =	sshll.u32 s26, $0x1;
	_ =	strace $0x80000046;
	[dreg:$0x1] =	wrdreg $0xFFFFFFFF  }
0xa7: {  	s28 =	simm.s32 $_size_execute0_lowered;
	s3 =	sadd.s32 s3, s5;
	[dreg:$0x0] =	wrdreg $0x0  }
0xa8: {  	s5 =	sshll.u32 s28, $0x1;
	[dreg:$0x2] =	wrdreg s3  }
0xa9: {  	[dreg:$0x3] =	wrdreg s5  }
0xaa: {  	[dreg:$0x4] =	wrdreg $0xC0  }
0xab: {  	_ =	task [dreg:s7], $0x5FFFF  }
0xac: {  	[dreg:$0x1] =	wrdreg $0xFFFFFFFF  }
0xad: {  	[dreg:$0x0] =	wrdreg $0x60  }
0xae: {  	[dreg:$0x2] =	wrdreg s2  }
0xaf: {  	[dreg:$0x3] =	wrdreg s24  }
0xb0: {  	[dreg:$0x4] =	wrdreg $0x9  }
0xb1: {  	_ =	task.clear_ibuf [dreg:s7], $0x5FFFF;
	_ =	strace $0x90000046  }
0xb2: {  	s29 =	simm.s32 $0x9;
	_ =	strace $0x80000048  }
0xb3: {  	_ =	swait.ge [sflag:s29], $0x1  }
0xb4: {  	[sflag:s29] =	ssyncadd.s32 $0xFFFFFFFF  }
0xb5: {  	_ =	strace $0x90000048  }
0xb6: {  	_ =	sfence  }
0xb7: {  	s30 =	sld [smem:$0x0];
	_ =	sdelay $0x2  }
0xb8: {  	s31 =	sshll.u32 s1, $0xD;
	s1 =	sshrl.u32 s1, $0x2  }
0xb9: {  	s3 =	sand.u32 $0x4000, s31;
	s1 =	sadd.s32 s1, s30  }
0xba: {  	s0 =	sor.u32 s3, s0;
	s1 =	sshll.u32 s1, $0x11  }
0xbb: {  	s0 =	sor.u32 s1, s0  }
0xbc: {  	s0 =	sadd.s32 $0x8F2B, s0  }
0xbd: {  	[sflag:s0] =	ssyncadd.remote.s32 $0x1  }
0xbe: {  	_ =	sfence.sel $0xFFFF  }
0xbf: {  	[dreg:$0x0] =	wrdreg $0xFFFFFFFF;
	(pc) =	sbr.abs _section_cstart, $3  }
0xc0: {  	[dreg:$0x1] =	wrdreg $0xFFFFFFFF  }
0xc1: {  	_ =	task.clear_ibuf [dreg:s7], $0x2FFFF;
	_ =	strace $0x9FFFFFFF  }
0xc2: {  	(tm) =	ssettm $0x7FFFFFFF  }
0xc3: {  	_ =	shalt  }
tec
execute0_lowered:
.L_overlay_start_1:
0x0: {  	(tag) =	ssettag $0x1  }
0x1: {  	s1 =	srdreg.scid  }
0x2: {  	s3 =	rddreg [dreg:$0x0];
	s0 =	stileid.u32  }
0x3: {  	s5 =	rddreg [dreg:$0x1];
	s2 =	simm.s32 $0x0;
	s8 =	simm.s32 $0x80  }
0x4: {  	s26 =	simm.s32 $0x880;
	s9 =	simm.s32 $0x1080;
	s10 =	simm.s32 $0x1880  }
0x5: {  	s11 =	simm.s32 $0x2080;
	s12 =	simm.s32 $0x2880;
	s13 =	simm.s32 $0x3080  }
0x6: {  	s14 =	simm.s32 $0x3880;
	s15 =	simm.s32 $0x4080;
	s16 =	simm.s32 $0x4880  }
0x7: {  	s17 =	simm.s32 $0x5080;
	s18 =	simm.s32 $0x5880;
	s19 =	simm.s32 $0x6080  }
0x8: {  	s20 =	simm.s32 $0x6880;
	s21 =	simm.s32 $0x7080;
	s22 =	simm.s32 $0x7880  }
0x9: {  	s23 =	simm.s32 $0x8080;
	s24 =	simm.s32 $0x8880;
	s25 =	simm.s32 $0x9080  }
0xa: {  	s28 =	simm.s32 $0xA080;
	s29 =	simm.s32 $0xA880;
	s30 =	simm.s32 $0xB080  }
0xb: {  	s31 =	simm.s32 $0xB880;
	s1 =	sand.u32 $0x1, s1;
	[smem:$0x7FF] =	sst s2  }
0xc: {  	s4 =	sshll.u32 s0, $0x4;
	s6 =	sshll.u32 s1, $0x3;
	_ =	strace $0x80000047  }
0xd: {  	s1 =	ssub.s32 $0x2, s1;
	[dreg:$0x5] =	wrdreg s26;
	s4 =	sor.u32 s6, s4  }
0xe: {  	s7 =	sshrl.u32 s1, $0x1;
	s6 =	sadd.s32 s4, s5;
	s4 =	smul.u32 $0x300, s4  }
0xf: {  	s26 =	simm.s32 $0x9880;
	s1 =	ssub.s32 s1, s7;
	s6 =	sadd.s32 $0x1400, s6  }
0x10: {  	v2 =	vlaneseq.u32;
	s7 =	simm.s32 $0x2;
	[dreg:$0x3] =	wrdreg s6;
	s4 =	sadd.s32 s3, s4  }
0x11: {  	vm0 =	vmmov $0xffff;
	v1 =	vshrl.u32 v2, $0x3;
	s3 =	sadd.s32 $0x1600, s5;
	s6 =	smax.u32 s1, $0x1;
	s1 =	simm.s32 $0x1  }
0x12: {  	v0 =	vand.u32 $0x7, v2;
	v2 =	vor.u32 $0x8, v2;
	v1 =	vmul.u32 $0x8, v1;
	[dreg:$0x4] =	wrdreg s4;
	s4 =	sadd.s32 $0x1700, s5;
	s5 =	sadd.s32 $0x1800, s5  }
.LBB2_1:
0x13: {  	s0 =	rddreg [dreg:$0x3]  }
0x14: {  	[tilespmem:s2], [sflag:$0x2] =	stream.linear.gather [hbm4b:s0+s2], $0x40, $0x38;
	[tilespmem:$0xC080] =	vst v63  }
0x15: {  	_ =	swait.ge [sflag:s7], $0x40  }
0x16: {  	[sflag:s7] =	ssyncset.done $0x0  }
0x17: {  	s0 =	rddreg [dreg:$0x4];
	[sflag:s7] =	ssyncadd.s32 $0xFFFFFFC0  }
0x18: {  	[tilespmem:s8], [sflag:$0x2] =	stream.linear.gather [hbm4b:s0+s2], $0xC000, $0x38;
	[tilespmem:$0xC080] =	vst v63  }
0x19: {  	_ =	swait.ge [sflag:s7], $0xC000  }
0x1a: {  	[sflag:s7] =	ssyncset.done $0x0  }
0x1b: {  	[sflag:s7] =	ssyncadd.s32 $0xFFFF4000  }
0x1c: {  	v3 =	vld [tilespmem:$0x0];
	_ =	sdelay $0x4  }
0x1d: {  	v4 =	vshrl.u32 v3, $0x3  }
0x1e: {  	v4 =	vmul.u32 $0x30, v4  }
0x1f: {  	v3 =	vand.u32 $0x7, v3  }
0x20: {  	v3 =	vor.u32 v3, v4  }
0x21: {  	v4 =	vperm.xlane v3, v0;
	_ =	sdelay $0x1  }
0x22: {  	v4 =	vadd.s32 v1, v4;
	_ =	sdelay $0x3  }
0x23: {  	v3 =	vperm.xlane v3, v2  }
0x24: {  	[hbm4b:s3+s2] =	stream.indirect_vreg.scatter [tilespmem:s8], [sflag:$0x1], $0x80, v4, vm0, $0xb8;
	[tilespmem:$0xC080] =	vst v63  }
0x25: {  	s0 =	rddreg [dreg:$0x5];
	v3 =	vadd.s32 v1, v3  }
0x26: {  	[hbm4b:s4+s2] =	stream.indirect_vreg.scatter [tilespmem:s0], [sflag:$0x1], $0x80, v4, vm0, $0xb8;
	[tilespmem:$0xC080] =	vst v63  }
0x27: {  	_ = 	snop  }
0x28: {  	[hbm4b:s5+s2] =	stream.indirect_vreg.scatter [tilespmem:s9], [sflag:$0x1], $0x80, v4, vm0, $0xb8;
	[tilespmem:$0xC080] =	vst v63  }
0x29: {  	_ = 	snop  }
0x2a: {  	[hbm4b:s3+s2] =	stream.indirect_vreg.scatter [tilespmem:s10], [sflag:$0x1], $0x80, v3, vm0, $0xb8;
	[tilespmem:$0xC080] =	vst v63  }
0x2b: {  	_ = 	snop  }
0x2c: {  	[hbm4b:s4+s2] =	stream.indirect_vreg.scatter [tilespmem:s11], [sflag:$0x1], $0x80, v3, vm0, $0xb8;
	[tilespmem:$0xC080] =	vst v63  }
0x2d: {  	_ = 	snop  }
0x2e: {  	[hbm4b:s5+s2] =	stream.indirect_vreg.scatter [tilespmem:s12], [sflag:$0x1], $0x80, v3, vm0, $0xb8;
	[tilespmem:$0xC080] =	vst v63  }
0x2f: {  	v3 =	vld [tilespmem:$0x10];
	_ =	sdelay $0x4  }
0x30: {  	v61 =	vshrl.u32 v3, $0x3  }
0x31: {  	v4 =	vmul.u32 $0x30, v61  }
0x32: {  	v3 =	vand.u32 $0x7, v3  }
0x33: {  	v3 =	vor.u32 v3, v4  }
0x34: {  	v4 =	vperm.xlane v3, v0;
	_ =	sdelay $0x1  }
0x35: {  	v4 =	vadd.s32 v1, v4;
	_ =	sdelay $0x3  }
0x36: {  	v3 =	vperm.xlane v3, v2  }
0x37: {  	[hbm4b:s3+s2] =	stream.indirect_vreg.scatter [tilespmem:s13], [sflag:$0x1], $0x80, v4, vm0, $0xb8;
	[tilespmem:$0xC080] =	vst v63  }
0x38: {  	v3 =	vadd.s32 v1, v3  }
0x39: {  	[hbm4b:s4+s2] =	stream.indirect_vreg.scatter [tilespmem:s14], [sflag:$0x1], $0x80, v4, vm0, $0xb8;
	[tilespmem:$0xC080] =	vst v63  }
0x3a: {  	_ = 	snop  }
0x3b: {  	[hbm4b:s5+s2] =	stream.indirect_vreg.scatter [tilespmem:s15], [sflag:$0x1], $0x80, v4, vm0, $0xb8;
	[tilespmem:$0xC080] =	vst v63  }
0x3c: {  	_ = 	snop  }
0x3d: {  	[hbm4b:s3+s2] =	stream.indirect_vreg.scatter [tilespmem:s16], [sflag:$0x1], $0x80, v3, vm0, $0xb8;
	[tilespmem:$0xC080] =	vst v63  }
0x3e: {  	_ = 	snop  }
0x3f: {  	[hbm4b:s4+s2] =	stream.indirect_vreg.scatter [tilespmem:s17], [sflag:$0x1], $0x80, v3, vm0, $0xb8;
	[tilespmem:$0xC080] =	vst v63  }
0x40: {  	_ = 	snop  }
0x41: {  	[hbm4b:s5+s2] =	stream.indirect_vreg.scatter [tilespmem:s18], [sflag:$0x1], $0x80, v3, vm0, $0xb8;
	[tilespmem:$0xC080] =	vst v63  }
0x42: {  	v3 =	vld [tilespmem:$0x20];
	_ =	sdelay $0x4  }
0x43: {  	v62 =	vshrl.u32 v3, $0x3  }
0x44: {  	v4 =	vmul.u32 $0x30, v62  }
0x45: {  	v3 =	vand.u32 $0x7, v3  }
0x46: {  	v3 =	vor.u32 v3, v4  }
0x47: {  	v4 =	vperm.xlane v3, v0;
	_ =	sdelay $0x1  }
0x48: {  	v4 =	vadd.s32 v1, v4;
	_ =	sdelay $0x3  }
0x49: {  	v3 =	vperm.xlane v3, v2  }
0x4a: {  	[hbm4b:s3+s2] =	stream.indirect_vreg.scatter [tilespmem:s19], [sflag:$0x1], $0x80, v4, vm0, $0xb8;
	[tilespmem:$0xC080] =	vst v63  }
0x4b: {  	v3 =	vadd.s32 v1, v3  }
0x4c: {  	[hbm4b:s4+s2] =	stream.indirect_vreg.scatter [tilespmem:s20], [sflag:$0x1], $0x80, v4, vm0, $0xb8;
	[tilespmem:$0xC080] =	vst v63  }
0x4d: {  	_ = 	snop  }
0x4e: {  	[hbm4b:s5+s2] =	stream.indirect_vreg.scatter [tilespmem:s21], [sflag:$0x1], $0x80, v4, vm0, $0xb8;
	[tilespmem:$0xC080] =	vst v63  }
0x4f: {  	_ = 	snop  }
0x50: {  	[hbm4b:s3+s2] =	stream.indirect_vreg.scatter [tilespmem:s22], [sflag:$0x1], $0x80, v3, vm0, $0xb8;
	[tilespmem:$0xC080] =	vst v63  }
0x51: {  	_ = 	snop  }
0x52: {  	[hbm4b:s4+s2] =	stream.indirect_vreg.scatter [tilespmem:s23], [sflag:$0x1], $0x80, v3, vm0, $0xb8;
	[tilespmem:$0xC080] =	vst v63  }
0x53: {  	_ = 	snop  }
0x54: {  	[hbm4b:s5+s2] =	stream.indirect_vreg.scatter [tilespmem:s24], [sflag:$0x1], $0x80, v3, vm0, $0xb8;
	[tilespmem:$0xC080] =	vst v63  }
0x55: {  	v3 =	vld [tilespmem:$0x30];
	_ =	sdelay $0x4  }
0x56: {  	v63 =	vshrl.u32 v3, $0x3  }
0x57: {  	v4 =	vmul.u32 $0x30, v63  }
0x58: {  	v3 =	vand.u32 $0x7, v3  }
0x59: {  	v3 =	vor.u32 v3, v4  }
0x5a: {  	v4 =	vperm.xlane v3, v0;
	_ =	sdelay $0x1  }
0x5b: {  	v4 =	vadd.s32 v1, v4;
	_ =	sdelay $0x3  }
0x5c: {  	v3 =	vperm.xlane v3, v2  }
0x5d: {  	[hbm4b:s3+s2] =	stream.indirect_vreg.scatter [tilespmem:s25], [sflag:$0x1], $0x80, v4, vm0, $0xb8;
	[tilespmem:$0xC080] =	vst v63  }
0x5e: {  	v3 =	vadd.s32 v1, v3  }
0x5f: {  	[hbm4b:s4+s2] =	stream.indirect_vreg.scatter [tilespmem:s26], [sflag:$0x1], $0x80, v4, vm0, $0xb8;
	[tilespmem:$0xC080] =	vst v63  }
0x60: {  	_ = 	snop  }
0x61: {  	[hbm4b:s5+s2] =	stream.indirect_vreg.scatter [tilespmem:s28], [sflag:$0x1], $0x80, v4, vm0, $0xb8;
	[tilespmem:$0xC080] =	vst v63  }
0x62: {  	_ = 	snop  }
0x63: {  	[hbm4b:s3+s2] =	stream.indirect_vreg.scatter [tilespmem:s29], [sflag:$0x1], $0x80, v3, vm0, $0xb8;
	[tilespmem:$0xC080] =	vst v63  }
0x64: {  	p0 =	sne.s32 s6, $0x1  }
0x65: {  	[hbm4b:s4+s2] =	stream.indirect_vreg.scatter [tilespmem:s30], [sflag:$0x1], $0x80, v3, vm0, $0xb8;
	[tilespmem:$0xC080] =	vst v63  }
.Ltmp0:
0x66: {  	_ = 	snop;
	(pc) =	sbr.rel @p0 .LBB2_1-.Ltmp0, $4  }
0x67: {  	[hbm4b:s5+s2] =	stream.indirect_vreg.scatter [tilespmem:s31], [sflag:$0x1], $0x80, v3, vm0, $0xb8;
	[tilespmem:$0xC080] =	vst v63  }
0x68: {  	_ =	swait.ge [sflag:s1], $0xC000  }
0x69: {  	[sflag:s1] =	ssyncset.done $0x0  }
0x6a: {  	s6 =	sadd.s32 $0xFFFFFFFF, s6;
	[sflag:s1] =	ssyncadd.s32 $0xFFFF4000  }
0x6b: {  	_ =	sfence.sel $0x180000  }
0x6c: {  	[bflag:$0x0] =	sbarrier.arrive $0xFFFF  }
0x6d: {  	_ =	strace $0x90000047  }
0x6e: {  	s0 =	stileid.u32;
	[bflag:$0x2] =	sbarrier.arrive $0xFFFF  }
0x6f: {  	p0 =	sne.s32 s0, $0x0;
	s0 =	rddreg [dreg:$0x2]  }
0x70: {  	s0 =	sadd.s32 @!p0 $0x100000, s0  }
0x71: {  	[sflag:s0] =	ssyncadd.tile.s32 @!p0 $0x1;
	_ =	shalt  }
.Lfunc_end2:
_tile_overlayer_lowered:
.L_overlay_start_2:
0x72: {  	(tag) =	ssettag $0x2  }
0x73: {  	s0 =	rddreg [dreg:$0x0];
	s2 =	stileid.u32  }
0x74: {  	s1 =	rddreg [dreg:$0x1];
	p0 =	sne.s32 s2, $0x0  }
0x75: {  	s3 =	rddreg [dreg:$0x2];
	[bflag:$0x3] =	sbarrier.arrive $0xFFFF;
	s2 =	simm.s32 @!p0 $0x1C02  }
0x76: {  	[timem:s3], [sflag:s2] =	dma.local @!p0 [hbm:s0], s1  }
0x77: {  	s0 =	simm.s32 @!p0 $0x2  }
0x78: {  	_ =	swait.ge @!p0 [sflag:s0], s1  }
0x79: {  	s1 =	ssub.s32 @!p0 $0x0, s1;
	[sflag:s0] =	ssyncset.done @!p0 $0x0  }
0x7a: {  	[sflag:s0] =	ssyncadd.s32 @!p0 s1  }
0x7b: {  	[bflag:$0x3] =	sbarrier.arrive $0xFFFF  }
0x7c: {  	_ =	shalt  }

// kernel: kernel.9.cloned.1.call-start
scs
__scs_entry_jumppad:
0x0: {  	(pc) =	sbr.rel $0x88, $3  }
0x1: {  	(tag) =	ssettag $0x0;
	lr =	simm.s32 $0x1  }
0x2: {  	[smem:$0x3F9B] =	sst lr;
	_ =	strace $0xD0000000  }
0x3: {  	_ = 	snop  }
0x4: {  	_ = 	snop  }
0x5: {  	_ = 	snop  }
0x6: {  	_ = 	snop  }
0x7: {  	_ = 	snop  }
__scs_overlays_trampoline_lowered:
0x8: {  	[smem:$0x3FAA] =	sst s0  }
0x9: {  	[smem:$0x3FAB] =	sst s1  }
0xa: {  	[smem:$0x3FAC] =	sst s2  }
0xb: {  	[smem:$0x3FAD] =	sst s3  }
0xc: {  	[smem:$0x3FAE] =	sst s4  }
0xd: {  	[smem:$0x3FAF] =	sst s5  }
0xe: {  	[smem:$0x3FB0] =	sst s6  }
0xf: {  	[smem:$0x3FB1] =	sst s7  }
0x10: {  	[smem:$0x3FB2] =	sst s8  }
0x11: {  	[smem:$0x3FB3] =	sst s9;
	s0 =	simm.s32 @!p0 $0x0  }
0x12: {  	s1 =	sld [smem:$0x3F99];
	s0 =	simm.s32 @p0 $0x1  }
0x13: {  	[smem:$0x3FB4] =	sst s0;
	s0 =	simm.s32 @!p1 $0x0  }
0x14: {  	s2 =	sld [smem:$0x3F98];
	s0 =	simm.s32 @p1 $0x1  }
0x15: {  	[smem:$0x3FB5] =	sst s0;
	s0 =	simm.s32 @!p2 $0x0  }
0x16: {  	s3 =	sld [smem:$0x3FDB];
	s0 =	simm.s32 @p2 $0x1  }
0x17: {  	s4 =	simm.s32 $0x1BF5;
	[smem:$0x3FB7] =	sst s0  }
0x18: {  	s0 =	sld [smem:$0x3F9A];
	_ =	swait.ge [sflag:s4], $0x0  }
0x19: {  	s7 =	sld [smem:$0x3F9B]  }
0x1a: {  	s8 =	sadd.s32 $0xFFFFE003, lr  }
0x1b: {  	s9 =	sadd.s32 $0xFFFFFEF7, lr;
	s5 =	simm.s32 $0xFFFFFFFF;
	p2 =	slt.u32 s8, $0xFFFFF086  }
0x1c: {  	p1 =	slt.u32 s9, $0xF7A;
	s5 =	simm.s32 @!p2 $0x0  }
0x1d: {  	s5 =	simm.s32 @p1 $0x1;
	p0 =	seq.s32 s7, s2  }
0x1e: {  	s7 =	smul.u32 @!p0 $0xF7A, s2;
	p2 =	seq.s32 @!p0 s5, $0x0  }
0x1f: {  	s9 =	smul.u32 $0xF7A, s1;
	s8 =	simm.s32 @!p0 $0x1BF5;
	p2 =	por !p2, p0  }
0x20: {  	[sflag:s8] =	ssyncset.s32 @!p0 $0xFFFFF086;
	s6 =	sadd.s32 @!p0 s3, s7;
	s7 =	simm.s32 @!p0 $0x108  }
0x21: {  	s3 =	sadd.s32 s3, s9;
	s6 =	sadd.s32 @!p0 $0x88, s6;
	s7 =	simm.s32 @p2 $0x1082  }
0x22: {  	[simem:s7], [sflag:s8] =	dma.local @!p0 [hbm:s6], $0xF7A  }
0x23: {  	s9 =	sor.u32 $0xD0000000, s2;
	s6 =	simm.s32 $0x108;
	_ =	swait.ge @!p0 [sflag:s8], $0x0  }
0x24: {  	s3 =	sadd.s32 $0x88, s3;
	s6 =	simm.s32 @!p1 $0x1082;
	[sflag:s4] =	ssyncset.s32 $0xFFFFF086  }
0x25: {  	[simem:s6], [sflag:s4] =	dma.local [hbm:s3], $0xF7A  }
0x26: {  	[smem:$0x3F9B] =	sst s1;
	(tag) =	ssettag s2;
	_ =	strace s9  }
0x27: {  	s1 =	sld [smem:$0x3FAB]  }
0x28: {  	s2 =	sld [smem:$0x3FAC]  }
0x29: {  	s4 =	sld [smem:$0x3FAE]  }
0x2a: {  	p0 =	seq.s32 s5, $0x0;
	s5 =	sld [smem:$0x3FAF]  }
0x2b: {  	s6 =	sld [smem:$0x3FB0]  }
0x2c: {  	s7 =	sld [smem:$0x3FB1]  }
0x2d: {  	s3 =	simm.s32 $0x108;
	s8 =	sld [smem:$0x3FB2]  }
0x2e: {  	s3 =	simm.s32 @!p0 $0x1082;
	s9 =	sld [smem:$0x3FB3]  }
0x2f: {  	lr =	sadd.s32 s0, s3;
	s0 =	sld [smem:$0x3FAA]  }
0x30: {  	s3 =	sld [smem:$0x3FAD]  }
0x31: {  	[smem:$0x3FB6] =	sst s10  }
0x32: {  	s10 =	sld [smem:$0x3FB4];
	_ =	sdelay $0x3  }
0x33: {  	p0 =	seq.s32 s10, $0x1;
	s10 =	sld [smem:$0x3FB6];
	_ =	sdelay $0x3  }
0x34: {  	[smem:$0x3FB6] =	sst s10  }
0x35: {  	s10 =	sld [smem:$0x3FB5];
	_ =	sdelay $0x3  }
0x36: {  	p1 =	seq.s32 s10, $0x1;
	s10 =	sld [smem:$0x3FB6];
	_ =	sdelay $0x3  }
0x37: {  	[smem:$0x3FB6] =	sst s10  }
0x38: {  	s10 =	sld [smem:$0x3FB7]  }
0x39: {  	_ = 	snop;
	(pc) =	sbr.ind lr, $3  }
0x3a: {  	_ = 	snop  }
0x3b: {  	_ = 	snop  }
0x3c: {  	p2 =	seq.s32 s10, $0x1;
	s10 =	sld [smem:$0x3FB6]  }
0x3d: {  	_ =	shalt  }
0x3e: {  	_ =	shalt  }
0x3f: {  	_ =	shalt  }
0x40: {  	_ =	shalt  }
0x41: {  	_ =	shalt  }
0x42: {  	_ =	shalt  }
0x43: {  	_ =	shalt  }
0x44: {  	_ =	shalt  }
0x45: {  	_ =	shalt  }
0x46: {  	_ =	shalt  }
0x47: {  	_ =	shalt  }
0x48: {  	_ =	shalt  }
0x49: {  	_ =	shalt  }
0x4a: {  	_ =	shalt  }
0x4b: {  	_ =	shalt  }
0x4c: {  	_ =	shalt  }
0x4d: {  	_ =	shalt  }
0x4e: {  	_ =	shalt  }
0x4f: {  	_ =	shalt  }
0x50: {  	_ =	shalt  }
0x51: {  	_ =	shalt  }
0x52: {  	_ =	shalt  }
0x53: {  	_ =	shalt  }
0x54: {  	_ =	shalt  }
0x55: {  	_ =	shalt  }
0x56: {  	_ =	shalt  }
0x57: {  	_ =	shalt  }
0x58: {  	_ =	shalt  }
0x59: {  	_ =	shalt  }
0x5a: {  	_ =	shalt  }
0x5b: {  	_ =	shalt  }
0x5c: {  	_ =	shalt  }
0x5d: {  	_ =	shalt  }
0x5e: {  	_ =	shalt  }
0x5f: {  	_ =	shalt  }
0x60: {  	_ =	shalt  }
0x61: {  	_ =	shalt  }
0x62: {  	_ =	shalt  }
0x63: {  	_ =	shalt  }
0x64: {  	_ =	shalt  }
0x65: {  	_ =	shalt  }
0x66: {  	_ =	shalt  }
0x67: {  	_ =	shalt  }
0x68: {  	_ =	shalt  }
0x69: {  	_ =	shalt  }
0x6a: {  	_ =	shalt  }
0x6b: {  	_ =	shalt  }
0x6c: {  	_ =	shalt  }
0x6d: {  	_ =	shalt  }
0x6e: {  	_ =	shalt  }
0x6f: {  	_ =	shalt  }
0x70: {  	_ =	shalt  }
0x71: {  	_ =	shalt  }
0x72: {  	_ =	shalt  }
0x73: {  	_ =	shalt  }
0x74: {  	_ =	shalt  }
0x75: {  	_ =	shalt  }
0x76: {  	_ =	shalt  }
0x77: {  	_ =	shalt  }
0x78: {  	_ =	shalt  }
0x79: {  	_ =	shalt  }
0x7a: {  	_ =	shalt  }
0x7b: {  	_ =	shalt  }
0x7c: {  	_ =	shalt  }
0x7d: {  	_ =	shalt  }
0x7e: {  	_ =	shalt  }
0x7f: {  	_ =	shalt  }
0x80: {  	_ =	shalt  }
0x81: {  	_ =	shalt  }
0x82: {  	_ =	shalt  }
0x83: {  	_ =	shalt  }
0x84: {  	_ =	shalt  }
0x85: {  	_ =	shalt  }
0x86: {  	_ =	shalt  }
0x87: {  	_ =	shalt  }
.Lfunc_end0:
.L_simem_size_0:
called_computation.1_lowered:
.L_overlay_start_0:
0x88: {  	s2 =	sld [smem:$0x3FD9]  }
0x89: {  	s3 =	sld [smem:$0x3FFE];
	_ =	sdelay $0x1  }
0x8a: {  	s1 =	srdreg.scid  }
0x8b: {  	s0 =	sand.u32 $0x1, s1  }
0x8c: {  	s17 =	sshll.u32 s0, $0xA;
	s2 =	sadd.s32 s3, s2  }
0x8d: {  	s2 =	sadd.s32 s2, s17  }
0x8e: {  	[smem:$0x3FC2] =	sst s2  }
0x8f: {  	_ = 	snop  }
0x90: {  	s2 =	sld [smem:$0x3FD0];
	(tm) =	ssettm $0x1  }
0x91: {  	s18 =	sld [smem:$0x3FFB];
	_ =	sdelay $0x3  }
0x92: {  	_ =	strace s18  }
0x93: {  	s3 =	sld [smem:$0x3FFC];
	_ =	sdelay $0x3  }
0x94: {  	_ =	strace s3  }
0x95: {  	s3 =	sld [smem:$0x3FFD];
	_ =	sdelay $0x3  }
0x96: {  	_ =	strace s3  }
0x97: {  	_ =	strace $0x8FFFFFFF  }
0x98: {  	s19 =	sld [smem:$0x3FDB];
	_ =	sdelay $0x1  }
0x99: {  	s4 =	simm.s32 $_scs_section_size  }
0x9a: {  	s5 =	simm.s32 $_size__tile_overlayer_lowered;
	s6 =	simm.s32 $_tile_overlayer_lowered  }
0x9b: {  	s22 =	simm.s32 $0x1BFF;
	s21 =	sshll.u32 s6, $0x1;
	s3 =	sadd.s32 s4, s19  }
0x9c: {  	s7 =	simm.s32 $0x0;
	s20 =	sshll.u32 s5, $0x1;
	s5 =	sadd.s32 s21, s3  }
0x9d: {  	[timem:s7], [sflag:s22] =	dma.local [hbm:s5], s20  }
0x9e: {  	_ =	swait.ge [sflag:s22], s20  }
0x9f: {  	s4 =	ssub.s32 $0x0, s20;
	[sflag:s22] =	ssyncset.done $0x0  }
0xa0: {  	[sflag:s22] =	ssyncadd.s32 s4;
	_ =	sdelay $0x1  }
0xa1: {  	s23 =	simm.s32 $0x1B8B  }
0xa2: {  	_ =	swait.ge [sflag:s23], $0x1  }
0xa3: {  	[sflag:s23] =	ssyncset.done $0x0  }
0xa4: {  	s25 =	simm.s32 $0x1B8E;
	s24 =	sld [smem:$0x3FFE];
	[sflag:s23] =	ssyncadd.s32 $0xFFFFFFFF  }
0xa5: {  	s26 =	simm.s32 $execute0_lowered;
	[smem:$0x3FD2] =	sst s25  }
0xa6: {  	s5 =	sshll.u32 s26, $0x1;
	_ =	strace $0x80000049;
	[dreg:$0x1] =	wrdreg $0xFFFFFFFF  }
0xa7: {  	s28 =	simm.s32 $_size_execute0_lowered;
	s3 =	sadd.s32 s3, s5;
	[dreg:$0x0] =	wrdreg $0x0  }
0xa8: {  	s5 =	sshll.u32 s28, $0x1;
	[dreg:$0x2] =	wrdreg s3  }
0xa9: {  	[dreg:$0x3] =	wrdreg s5  }
0xaa: {  	[dreg:$0x4] =	wrdreg $0xC0  }
0xab: {  	_ =	task [dreg:s7], $0x5FFFF  }
0xac: {  	[dreg:$0x1] =	wrdreg $0xFFFFFFFF  }
0xad: {  	[dreg:$0x0] =	wrdreg $0x60  }
0xae: {  	[dreg:$0x2] =	wrdreg s24  }
0xaf: {  	[dreg:$0x3] =	wrdreg s2  }
0xb0: {  	[dreg:$0x4] =	wrdreg $0x9  }
0xb1: {  	_ =	task.clear_ibuf [dreg:s7], $0x5FFFF;
	_ =	strace $0x90000049  }
0xb2: {  	s29 =	simm.s32 $0x9;
	_ =	strace $0x8000004B  }
0xb3: {  	_ =	swait.ge [sflag:s29], $0x1  }
0xb4: {  	[sflag:s29] =	ssyncadd.s32 $0xFFFFFFFF  }
0xb5: {  	_ =	strace $0x9000004B  }
0xb6: {  	_ =	sfence  }
0xb7: {  	s30 =	sld [smem:$0x0];
	_ =	sdelay $0x2  }
0xb8: {  	s31 =	sshll.u32 s1, $0xD;
	s1 =	sshrl.u32 s1, $0x2  }
0xb9: {  	s3 =	sand.u32 $0x4000, s31;
	s1 =	sadd.s32 s1, s30  }
0xba: {  	s0 =	sor.u32 s3, s0;
	s1 =	sshll.u32 s1, $0x11  }
0xbb: {  	s0 =	sor.u32 s1, s0  }
0xbc: {  	s0 =	sadd.s32 $0x8F2B, s0  }
0xbd: {  	[sflag:s0] =	ssyncadd.remote.s32 $0x1  }
0xbe: {  	_ =	sfence.sel $0xFFFF  }
0xbf: {  	[dreg:$0x0] =	wrdreg $0xFFFFFFFF;
	(pc) =	sbr.abs _section_cstart, $3  }
0xc0: {  	[dreg:$0x1] =	wrdreg $0xFFFFFFFF  }
0xc1: {  	_ =	task.clear_ibuf [dreg:s7], $0x2FFFF;
	_ =	strace $0x9FFFFFFF  }
0xc2: {  	(tm) =	ssettm $0x7FFFFFFF  }
0xc3: {  	_ =	shalt  }
tec
execute0_lowered:
.L_overlay_start_1:
0x0: {  	(tag) =	ssettag $0x1  }
0x1: {  	s0 =	rddreg [dreg:$0x0]  }
0x2: {  	s5 =	rddreg [dreg:$0x1];
	s3 =	srdreg.scid  }
0x3: {  	s2 =	simm.s32 $0x0;
	s1 =	stileid.u32;
	s26 =	simm.s32 $0x880  }
0x4: {  	s10 =	simm.s32 $0x1880;
	s11 =	simm.s32 $0x2080;
	s12 =	simm.s32 $0x2880  }
0x5: {  	s13 =	simm.s32 $0x3080;
	s14 =	simm.s32 $0x3880;
	s15 =	simm.s32 $0x4080  }
0x6: {  	s16 =	simm.s32 $0x4880;
	s17 =	simm.s32 $0x5080;
	s18 =	simm.s32 $0x5880  }
0x7: {  	s19 =	simm.s32 $0x6080;
	s20 =	simm.s32 $0x6880;
	s21 =	simm.s32 $0x7080  }
0x8: {  	s22 =	simm.s32 $0x7880;
	s28 =	simm.s32 $0xA080;
	s29 =	simm.s32 $0xA880  }
0x9: {  	s30 =	simm.s32 $0xB080;
	s31 =	simm.s32 $0xB880;
	s3 =	sand.u32 $0x1, s3  }
0xa: {  	[smem:$0x7FF] =	sst s2;
	s4 =	sshll.u32 s1, $0x4;
	s6 =	sshll.u32 s3, $0x3  }
0xb: {  	_ =	strace $0x8000004A;
	s23 =	ssub.s32 $0x2, s3;
	s3 =	sadd.s32 $0x1600, s0  }
0xc: {  	[dreg:$0x5] =	wrdreg s26;
	s26 =	simm.s32 $0x9880;
	s4 =	sor.u32 s6, s4  }
0xd: {  	s8 =	sshrl.u32 s23, $0x1;
	s7 =	sadd.s32 s4, s0;
	s9 =	smul.u32 $0x300, s4  }
0xe: {  	s6 =	ssub.s32 s23, s8;
	s4 =	sadd.s32 $0x1700, s0;
	s8 =	simm.s32 $0x80  }
0xf: {  	s23 =	simm.s32 $0x8080;
	s24 =	sadd.s32 $0x1400, s7;
	s6 =	smax.u32 s6, $0x1  }
0x10: {  	v2 =	vlaneseq.u32;
	s7 =	simm.s32 $0x2;
	[dreg:$0x3] =	wrdreg s24;
	s25 =	sadd.s32 s5, s9  }
0x11: {  	vm0 =	vmmov $0xffff;
	v1 =	vshrl.u32 v2, $0x3;
	s5 =	sadd.s32 $0x1800, s0;
	s9 =	simm.s32 $0x1080;
	s24 =	simm.s32 $0x8880  }
0x12: {  	v0 =	vand.u32 $0x7, v2;
	v2 =	vor.u32 $0x8, v2;
	v1 =	vmul.u32 $0x8, v1;
	s0 =	simm.s32 $0x1;
	[dreg:$0x4] =	wrdreg s25;
	s25 =	simm.s32 $0x9080  }
.LBB2_1:
0x13: {  	s1 =	rddreg [dreg:$0x3]  }
0x14: {  	[tilespmem:s2], [sflag:$0x2] =	stream.linear.gather [hbm4b:s1+s2], $0x40, $0x38;
	[tilespmem:$0xC080] =	vst v63  }
0x15: {  	_ =	swait.ge [sflag:s7], $0x40  }
0x16: {  	[sflag:s7] =	ssyncset.done $0x0  }
0x17: {  	[sflag:s7] =	ssyncadd.s32 $0xFFFFFFC0  }
0x18: {  	v3 =	vld [tilespmem:$0x0];
	_ =	sdelay $0x4  }
0x19: {  	v4 =	vshrl.u32 v3, $0x3  }
0x1a: {  	v4 =	vmul.u32 $0x30, v4  }
0x1b: {  	v3 =	vand.u32 $0x7, v3  }
0x1c: {  	v3 =	vor.u32 v3, v4  }
0x1d: {  	v4 =	vperm.xlane v3, v0;
	_ =	sdelay $0x1  }
0x1e: {  	v4 =	vadd.s32 v1, v4;
	_ =	sdelay $0x3  }
0x1f: {  	v3 =	vperm.xlane v3, v2  }
0x20: {  	[tilespmem:s8], [sflag:$0x1] =	stream.indirect_vreg.gather [hbm4b:s3+s2], $0x80, v4, vm0, $0xb8;
	[tilespmem:$0xC080] =	vst v63  }
0x21: {  	s1 =	rddreg [dreg:$0x5];
	v3 =	vadd.s32 v1, v3  }
0x22: {  	[tilespmem:s1], [sflag:$0x1] =	stream.indirect_vreg.gather [hbm4b:s4+s2], $0x80, v4, vm0, $0xb8;
	[tilespmem:$0xC080] =	vst v63  }
0x23: {  	_ = 	snop  }
0x24: {  	[tilespmem:s9], [sflag:$0x1] =	stream.indirect_vreg.gather [hbm4b:s5+s2], $0x80, v4, vm0, $0xb8;
	[tilespmem:$0xC080] =	vst v63  }
0x25: {  	_ = 	snop  }
0x26: {  	[tilespmem:s10], [sflag:$0x1] =	stream.indirect_vreg.gather [hbm4b:s3+s2], $0x80, v3, vm0, $0xb8;
	[tilespmem:$0xC080] =	vst v63  }
0x27: {  	_ = 	snop  }
0x28: {  	[tilespmem:s11], [sflag:$0x1] =	stream.indirect_vreg.gather [hbm4b:s4+s2], $0x80, v3, vm0, $0xb8;
	[tilespmem:$0xC080] =	vst v63  }
0x29: {  	_ = 	snop  }
0x2a: {  	[tilespmem:s12], [sflag:$0x1] =	stream.indirect_vreg.gather [hbm4b:s5+s2], $0x80, v3, vm0, $0xb8;
	[tilespmem:$0xC080] =	vst v63  }
0x2b: {  	v3 =	vld [tilespmem:$0x10];
	_ =	sdelay $0x4  }
0x2c: {  	v61 =	vshrl.u32 v3, $0x3  }
0x2d: {  	v4 =	vmul.u32 $0x30, v61  }
0x2e: {  	v3 =	vand.u32 $0x7, v3  }
0x2f: {  	v3 =	vor.u32 v3, v4  }
0x30: {  	v4 =	vperm.xlane v3, v0;
	_ =	sdelay $0x1  }
0x31: {  	v4 =	vadd.s32 v1, v4;
	_ =	sdelay $0x3  }
0x32: {  	v3 =	vperm.xlane v3, v2  }
0x33: {  	[tilespmem:s13], [sflag:$0x1] =	stream.indirect_vreg.gather [hbm4b:s3+s2], $0x80, v4, vm0, $0xb8;
	[tilespmem:$0xC080] =	vst v63  }
0x34: {  	v3 =	vadd.s32 v1, v3  }
0x35: {  	[tilespmem:s14], [sflag:$0x1] =	stream.indirect_vreg.gather [hbm4b:s4+s2], $0x80, v4, vm0, $0xb8;
	[tilespmem:$0xC080] =	vst v63  }
0x36: {  	_ = 	snop  }
0x37: {  	[tilespmem:s15], [sflag:$0x1] =	stream.indirect_vreg.gather [hbm4b:s5+s2], $0x80, v4, vm0, $0xb8;
	[tilespmem:$0xC080] =	vst v63  }
0x38: {  	_ = 	snop  }
0x39: {  	[tilespmem:s16], [sflag:$0x1] =	stream.indirect_vreg.gather [hbm4b:s3+s2], $0x80, v3, vm0, $0xb8;
	[tilespmem:$0xC080] =	vst v63  }
0x3a: {  	_ = 	snop  }
0x3b: {  	[tilespmem:s17], [sflag:$0x1] =	stream.indirect_vreg.gather [hbm4b:s4+s2], $0x80, v3, vm0, $0xb8;
	[tilespmem:$0xC080] =	vst v63  }
0x3c: {  	_ = 	snop  }
0x3d: {  	[tilespmem:s18], [sflag:$0x1] =	stream.indirect_vreg.gather [hbm4b:s5+s2], $0x80, v3, vm0, $0xb8;
	[tilespmem:$0xC080] =	vst v63  }
0x3e: {  	v3 =	vld [tilespmem:$0x20];
	_ =	sdelay $0x4  }
0x3f: {  	v62 =	vshrl.u32 v3, $0x3  }
0x40: {  	v4 =	vmul.u32 $0x30, v62  }
0x41: {  	v3 =	vand.u32 $0x7, v3  }
0x42: {  	v3 =	vor.u32 v3, v4  }
0x43: {  	v4 =	vperm.xlane v3, v0;
	_ =	sdelay $0x1  }
0x44: {  	v4 =	vadd.s32 v1, v4;
	_ =	sdelay $0x3  }
0x45: {  	v3 =	vperm.xlane v3, v2  }
0x46: {  	[tilespmem:s19], [sflag:$0x1] =	stream.indirect_vreg.gather [hbm4b:s3+s2], $0x80, v4, vm0, $0xb8;
	[tilespmem:$0xC080] =	vst v63  }
0x47: {  	v3 =	vadd.s32 v1, v3  }
0x48: {  	[tilespmem:s20], [sflag:$0x1] =	stream.indirect_vreg.gather [hbm4b:s4+s2], $0x80, v4, vm0, $0xb8;
	[tilespmem:$0xC080] =	vst v63  }
0x49: {  	_ = 	snop  }
0x4a: {  	[tilespmem:s21], [sflag:$0x1] =	stream.indirect_vreg.gather [hbm4b:s5+s2], $0x80, v4, vm0, $0xb8;
	[tilespmem:$0xC080] =	vst v63  }
0x4b: {  	_ = 	snop  }
0x4c: {  	[tilespmem:s22], [sflag:$0x1] =	stream.indirect_vreg.gather [hbm4b:s3+s2], $0x80, v3, vm0, $0xb8;
	[tilespmem:$0xC080] =	vst v63  }
0x4d: {  	_ = 	snop  }
0x4e: {  	[tilespmem:s23], [sflag:$0x1] =	stream.indirect_vreg.gather [hbm4b:s4+s2], $0x80, v3, vm0, $0xb8;
	[tilespmem:$0xC080] =	vst v63  }
0x4f: {  	_ = 	snop  }
0x50: {  	[tilespmem:s24], [sflag:$0x1] =	stream.indirect_vreg.gather [hbm4b:s5+s2], $0x80, v3, vm0, $0xb8;
	[tilespmem:$0xC080] =	vst v63  }
0x51: {  	v3 =	vld [tilespmem:$0x30];
	_ =	sdelay $0x4  }
0x52: {  	v63 =	vshrl.u32 v3, $0x3  }
0x53: {  	v4 =	vmul.u32 $0x30, v63  }
0x54: {  	v3 =	vand.u32 $0x7, v3  }
0x55: {  	v3 =	vor.u32 v3, v4  }
0x56: {  	v4 =	vperm.xlane v3, v0;
	_ =	sdelay $0x1  }
0x57: {  	v4 =	vadd.s32 v1, v4;
	_ =	sdelay $0x3  }
0x58: {  	v3 =	vperm.xlane v3, v2  }
0x59: {  	[tilespmem:s25], [sflag:$0x1] =	stream.indirect_vreg.gather [hbm4b:s3+s2], $0x80, v4, vm0, $0xb8;
	[tilespmem:$0xC080] =	vst v63  }
0x5a: {  	v3 =	vadd.s32 v1, v3  }
0x5b: {  	[tilespmem:s26], [sflag:$0x1] =	stream.indirect_vreg.gather [hbm4b:s4+s2], $0x80, v4, vm0, $0xb8;
	[tilespmem:$0xC080] =	vst v63  }
0x5c: {  	_ = 	snop  }
0x5d: {  	[tilespmem:s28], [sflag:$0x1] =	stream.indirect_vreg.gather [hbm4b:s5+s2], $0x80, v4, vm0, $0xb8;
	[tilespmem:$0xC080] =	vst v63  }
0x5e: {  	_ = 	snop  }
0x5f: {  	[tilespmem:s29], [sflag:$0x1] =	stream.indirect_vreg.gather [hbm4b:s3+s2], $0x80, v3, vm0, $0xb8;
	[tilespmem:$0xC080] =	vst v63  }
0x60: {  	_ = 	snop  }
0x61: {  	[tilespmem:s30], [sflag:$0x1] =	stream.indirect_vreg.gather [hbm4b:s4+s2], $0x80, v3, vm0, $0xb8;
	[tilespmem:$0xC080] =	vst v63  }
0x62: {  	_ = 	snop  }
0x63: {  	[tilespmem:s31], [sflag:$0x1] =	stream.indirect_vreg.gather [hbm4b:s5+s2], $0x80, v3, vm0, $0xb8;
	[tilespmem:$0xC080] =	vst v63  }
0x64: {  	_ =	swait.ge [sflag:s0], $0xC000  }
0x65: {  	p0 =	sne.s32 s6, $0x1;
	[sflag:s0] =	ssyncset.done $0x0  }
.Ltmp0:
0x66: {  	s1 =	rddreg [dreg:$0x4];
	[sflag:s0] =	ssyncadd.s32 $0xFFFF4000;
	(pc) =	sbr.rel @p0 .LBB2_1-.Ltmp0, $4  }
0x67: {  	[hbm4b:s1+s2] =	stream.linear.scatter [tilespmem:s8], [sflag:$0x2], $0xC000, $0x38;
	[tilespmem:$0xC080] =	vst v63  }
0x68: {  	_ =	swait.ge [sflag:s7], $0xC000  }
0x69: {  	[sflag:s7] =	ssyncset.done $0x0  }
0x6a: {  	s6 =	sadd.s32 $0xFFFFFFFF, s6;
	[sflag:s7] =	ssyncadd.s32 $0xFFFF4000  }
0x6b: {  	_ =	sfence.sel $0x180000  }
0x6c: {  	[bflag:$0x0] =	sbarrier.arrive $0xFFFF  }
0x6d: {  	_ =	strace $0x9000004A  }
0x6e: {  	s0 =	stileid.u32;
	[bflag:$0x2] =	sbarrier.arrive $0xFFFF  }
0x6f: {  	p0 =	sne.s32 s0, $0x0;
	s0 =	rddreg [dreg:$0x2]  }
0x70: {  	s0 =	sadd.s32 @!p0 $0x100000, s0  }
0x71: {  	[sflag:s0] =	ssyncadd.tile.s32 @!p0 $0x1;
	_ =	shalt  }
.Lfunc_end2:
_tile_overlayer_lowered:
.L_overlay_start_2:
0x72: {  	(tag) =	ssettag $0x2  }
0x73: {  	s0 =	rddreg [dreg:$0x0];
	s2 =	stileid.u32  }
0x74: {  	s1 =	rddreg [dreg:$0x1];
	p0 =	sne.s32 s2, $0x0  }
0x75: {  	s3 =	rddreg [dreg:$0x2];
	[bflag:$0x3] =	sbarrier.arrive $0xFFFF;
	s2 =	simm.s32 @!p0 $0x1C02  }
0x76: {  	[timem:s3], [sflag:s2] =	dma.local @!p0 [hbm:s0], s1  }
0x77: {  	s0 =	simm.s32 @!p0 $0x2  }
0x78: {  	_ =	swait.ge @!p0 [sflag:s0], s1  }
0x79: {  	s1 =	ssub.s32 @!p0 $0x0, s1;
	[sflag:s0] =	ssyncset.done @!p0 $0x0  }
0x7a: {  	[sflag:s0] =	ssyncadd.s32 @!p0 s1  }
0x7b: {  	[bflag:$0x3] =	sbarrier.arrive $0xFFFF  }
0x7c: {  	_ =	shalt  }

</sc_bundles>
